<compile_context>
chip_gen: v7x
topology: tpu7x:2x2x1
jax: 0.10.2.dev20260603
libtpu: 0.0.44.dev20260713+nightly
codegen_flags: <defaults>
</compile_context>

<pallas_src>
import functools

import jax
import jax.numpy as jnp
from jax import lax
from jax.experimental import pallas as pl
from jax.experimental.pallas import tpu as pltpu
from jax.experimental.pallas import tpu_sc as plsc

BATCH = 4096
SEQ = 200
EMB = 64
NCLS = 8
VOCAB = 1000000

NC = 2
NS = 16
NW = NC * NS
ROWS_PER_W = BATCH // NW
CHUNK = SEQ // 2
L = 16
EV = EMB // L

NBUF = 4

_mesh = plsc.VectorSubcoreMesh(
    core_axis_name="c", subcore_axis_name="s", num_cores=NC, num_subcores=NS)


@functools.partial(
    pl.kernel,
    out_type=jax.ShapeDtypeStruct((BATCH, EMB), jnp.float32),
    mesh=_mesh,
    scratch_types=[
        pltpu.VMEM((ROWS_PER_W * 2, CHUNK), jnp.int32),
        pltpu.VMEM((NBUF, 2, CHUNK, EMB), jnp.float32),
        pltpu.VMEM((ROWS_PER_W, EMB), jnp.float32),
        [pltpu.SemaphoreType.DMA] * NBUF,
    ],
    compiler_params=pltpu.CompilerParams(use_tc_tiling_on_sc=False),
)
def _pool_kernel(idx_hbm, table_hbm, out_hbm, idx_v, buf, out_v, sems):
    wid = lax.axis_index("s") * NC + lax.axis_index("c")
    base2 = wid * (ROWS_PER_W * 2)
    pltpu.sync_copy(idx_hbm.at[pl.ds(base2, ROWS_PER_W * 2)], idx_v)

    neg = jnp.full((L,), -jnp.inf, dtype=jnp.float32)

    def fire(row, slot):
        pltpu.async_copy(table_hbm.at[idx_v.at[2 * row]], buf.at[slot, 0],
                         sems[slot])
        pltpu.async_copy(table_hbm.at[idx_v.at[2 * row + 1]], buf.at[slot, 1],
                         sems[slot])

    def drain(slot):
        for c in range(2):
            pltpu.make_async_copy(table_hbm.at[pl.ds(0, CHUNK)],
                                  buf.at[slot, c], sems[slot]).wait()

    def row_max(b0, b1):
        @plsc.parallel_loop(0, CHUNK, unroll=4, carry=(neg,) * (2 * EV))
        def acc(j, a):
            lo = tuple(
                jnp.maximum(a[d], b0[j, pl.ds(L * d, L)]) for d in range(EV))
            hi = tuple(
                jnp.maximum(a[EV + d], b1[j, pl.ds(L * d, L)])
                for d in range(EV))
            return lo + hi
        return tuple(jnp.maximum(acc[d], acc[EV + d]) for d in range(EV))

    for slot in range(NBUF):
        fire(slot, slot)

    def outer_body(k, carry):
        for p in range(NBUF):
            r = NBUF * k + p
            drain(p)
            acc = row_max(buf.at[p, 0], buf.at[p, 1])
            for d in range(EV):
                out_v[r, pl.ds(L * d, L)] = acc[d]
            fire(lax.rem(r + NBUF, ROWS_PER_W), p)
        return carry

    lax.fori_loop(0, ROWS_PER_W // NBUF, outer_body, 0)
    for slot in range(NBUF):
        drain(slot)
    pltpu.sync_copy(out_v, out_hbm.at[pl.ds(wid * ROWS_PER_W, ROWS_PER_W)])


def _matmul_body(x_ref, wt_ref, b_ref, o_ref):
    o_ref[:] = (
        jnp.dot(x_ref[:], wt_ref[:], preferred_element_type=jnp.float32)
        + b_ref[:])


_matmul = pl.pallas_call(
    _matmul_body,
    out_shape=jax.ShapeDtypeStruct((BATCH, NCLS), jnp.float32),
)


def kernel(content, emb_table, W, b):
    idx = content.reshape(BATCH * 2, CHUNK)
    pooled = _pool_kernel(idx, emb_table)
    return _matmul(pooled, W.T, b.reshape(1, NCLS))

# --- scband reference (transcript-rebuilt; emitter-appended) ---
"""Pipeline reference for scband-bow-37374805410292 (READ-ONLY COPY).

The authoritative reference and input builder live on the scoring server;
editing this copy changes nothing except your own understanding.
"""

import jax, jax.numpy as jnp
import numpy as np

VOCAB = 1000000
EMB_DIM = 64
NUM_CLASSES = 8
BATCH = 4096
SEQ = 200

def setup_inputs(seed: int = 0) -> dict:
    key = jax.random.key(seed)
    k1, k2, k3, k4 = jax.random.split(key, 4)
    content = jax.random.randint(k1, (BATCH, SEQ), 0, VOCAB, dtype=jnp.int64 if jax.config.jax_enable_x64 else jnp.int32).astype(jnp.int32)
    emb_table = jax.random.normal(k2, (VOCAB, EMB_DIM), dtype=jnp.float32) * 0.02
    W = jax.random.normal(k3, (NUM_CLASSES, EMB_DIM), dtype=jnp.float32) * (1.0 / np.sqrt(EMB_DIM))
    b = jnp.zeros((NUM_CLASSES,), dtype=jnp.float32)
    return {"content": content, "emb_table": emb_table, "W": W, "b": b}

def reference(content, emb_table, W, b):
    # embedding lookup: gather rows from table
    x = jnp.take(emb_table, content, axis=0)          # [B, L, D]
    # bag-of-words max pooling over sequence dim (torch.max(x, 1)[0])
    x = jnp.max(x, axis=1)                            # [B, D]
    # linear projection to logits
    logits = x @ W.T + b                              # [B, NUM_CLASSES]
    return logits

if __name__ == "__main__":
    import jax
    _d = setup_inputs()
    print(jax.jit(kernel)(*tuple(_d.values())))

</pallas_src>

<mosaic_0001>
#map = affine_map<(d0, d1) -> (0, 0)>
module attributes {stable_mosaic.version = 14 : i64} {
  func.func @_pool_kernel(%arg0: i32, %arg1: i32, %arg2: memref<8192x100xi32, #tpu.memory_space<hbm>>, %arg3: memref<1000000x64xf32, #tpu.memory_space<hbm>>, %arg4: memref<4096x64xf32, #tpu.memory_space<hbm>>, %arg5: memref<256x100xi32, #tpu.memory_space<vmem>>, %arg6: memref<4x2x100x64xf32, #tpu.memory_space<vmem>>, %arg7: memref<128x64xf32, #tpu.memory_space<vmem>>, %arg8: memref<!tpu.dma_semaphore, #tpu.memory_space<semaphore_mem>>, %arg9: memref<!tpu.dma_semaphore, #tpu.memory_space<semaphore_mem>>, %arg10: memref<!tpu.dma_semaphore, #tpu.memory_space<semaphore_mem>>, %arg11: memref<!tpu.dma_semaphore, #tpu.memory_space<semaphore_mem>>) attributes {dimension_semantics = [#tpu.dimension_semantics<core_parallel>, #tpu.dimension_semantics<subcore_parallel>], iteration_bounds = array<i64: 2, 16>, scalar_prefetch = 0 : i64, scratch_operands = 7 : i64, tpu.core_type = #tpu.core_type<sc_vector_subcore>, window_params = [{transform_indices = #map}, {transform_indices = #map}, {transform_indices = #map}]} {
    %mul3A = arith.constant 2 : i32
    %mul3A_0 = arith.muli %arg1, %mul3A : i32
    %add3A = arith.addi %mul3A_0, %arg0 : i32
    %mul3A_1 = arith.constant 256 : i32
    %mul3A_2 = arith.muli %add3A, %mul3A_1 : i32
    "tpu.region"() ({
      %run_scoped3A = tpu.sem_alloc : memref<!tpu.dma_semaphore, #tpu.memory_space<semaphore_mem>>
      %dma_start3A_241 = arith.constant 0 : i32
      %dma_start3A_242 = tpu.memref_slice %arg2[%mul3A_2, %dma_start3A_241] : memref<8192x100xi32, #tpu.memory_space<hbm>> -> memref<256x100xi32, #tpu.memory_space<hbm>>
      %dma_start3A_243 = arith.constant 0 : i32
      %dma_start3A_244 = tpu.memref_slice %arg2[%mul3A_2, %dma_start3A_243] : memref<8192x100xi32, #tpu.memory_space<hbm>> -> memref<256x100xi32, #tpu.memory_space<hbm>>
      tpu.enqueue_dma source(%dma_start3A_244 : memref<256x100xi32, #tpu.memory_space<hbm>>) target(%arg5 : memref<256x100xi32, #tpu.memory_space<vmem>>) target_semaphore(%run_scoped3A : memref<!tpu.dma_semaphore, #tpu.memory_space<semaphore_mem>>)
      %dma_wait3A_245 = arith.constant 0 : i32
      %dma_wait3A_246 = tpu.memref_slice %arg2[%mul3A_2, %dma_wait3A_245] : memref<8192x100xi32, #tpu.memory_space<hbm>> -> memref<256x100xi32, #tpu.memory_space<hbm>>
      %dma_wait3A_247 = arith.constant 0 : i32
      %dma_wait3A_248 = tpu.memref_slice %arg2[%mul3A_2, %dma_wait3A_247] : memref<8192x100xi32, #tpu.memory_space<hbm>> -> memref<256x100xi32, #tpu.memory_space<hbm>>
      tpu.wait_dma2 semaphore(%run_scoped3A : memref<!tpu.dma_semaphore, #tpu.memory_space<semaphore_mem>>) src(%dma_wait3A_248 : memref<256x100xi32, #tpu.memory_space<hbm>>) dst(%arg5 : memref<256x100xi32, #tpu.memory_space<vmem>>)
      tpu.yield
    }) : () -> ()
    %broadcast_in_dim3A = arith.constant 0xFF800000 : f32
    %broadcast_in_dim3A_3 = vector.broadcast %broadcast_in_dim3A : f32 to vector<16xf32>
    %dma_start3A = arith.constant 0 : i32
    %dma_start3A_4 = arith.constant 0 : i32
    %dma_start3A_5 = arith.constant 0 : i32
    %dma_start3A_6 = arith.constant 0 : i32
    %dma_start3A_7 = arith.constant 0 : i32
    %dma_start3A_8 = tpu.memref_slice %arg6[%dma_start3A_4, %dma_start3A_5, %dma_start3A_6, %dma_start3A_7] : memref<4x2x100x64xf32, #tpu.memory_space<vmem>> -> memref<1x1x100x64xf32, #tpu.memory_space<vmem>>
    %dma_start3A_9 = tpu.memref_squeeze %dma_start3A_8 : memref<1x1x100x64xf32, #tpu.memory_space<vmem>> -> memref<100x64xf32, #tpu.memory_space<vmem>>
    %dma_start3A_10 = arith.constant 0 : i32
    %dma_start3A_11 = tpu.memref_slice %arg5[%dma_start3A, %dma_start3A_10] : memref<256x100xi32, #tpu.memory_space<vmem>> -> memref<1x100xi32, #tpu.memory_space<vmem>>
    %dma_start3A_12 = tpu.memref_squeeze %dma_start3A_11 : memref<1x100xi32, #tpu.memory_space<vmem>> -> memref<100xi32, #tpu.memory_space<vmem>>
    %dma_start3A_13 = arith.constant 0 : i32
    %dma_start3A_14 = arith.constant 0 : i32
    %dma_start3A_15 = tpu.memref_slice %arg3[%dma_start3A_13, %dma_start3A_14] : memref<1000000x64xf32, #tpu.memory_space<hbm>> -> memref<1000000x64xf32, #tpu.memory_space<hbm>>
    tpu.enqueue_indirect_dma source(%dma_start3A_15 : memref<1000000x64xf32, #tpu.memory_space<hbm>>) target(%dma_start3A_9 : memref<100x64xf32, #tpu.memory_space<vmem>>) offsets(%dma_start3A_12 : memref<100xi32, #tpu.memory_space<vmem>>) semaphore(%arg8 : memref<!tpu.dma_semaphore, #tpu.memory_space<semaphore_mem>>)
    %dma_start3A_16 = arith.constant 1 : i32
    %dma_start3A_17 = arith.constant 0 : i32
    %dma_start3A_18 = arith.constant 1 : i32
    %dma_start3A_19 = arith.constant 0 : i32
    %dma_start3A_20 = arith.constant 0 : i32
    %dma_start3A_21 = tpu.memref_slice %arg6[%dma_start3A_17, %dma_start3A_18, %dma_start3A_19, %dma_start3A_20] : memref<4x2x100x64xf32, #tpu.memory_space<vmem>> -> memref<1x1x100x64xf32, #tpu.memory_space<vmem>>
    %dma_start3A_22 = tpu.memref_squeeze %dma_start3A_21 : memref<1x1x100x64xf32, #tpu.memory_space<vmem>> -> memref<100x64xf32, #tpu.memory_space<vmem>>
    %dma_start3A_23 = arith.constant 0 : i32
    %dma_start3A_24 = tpu.memref_slice %arg5[%dma_start3A_16, %dma_start3A_23] : memref<256x100xi32, #tpu.memory_space<vmem>> -> memref<1x100xi32, #tpu.memory_space<vmem>>
    %dma_start3A_25 = tpu.memref_squeeze %dma_start3A_24 : memref<1x100xi32, #tpu.memory_space<vmem>> -> memref<100xi32, #tpu.memory_space<vmem>>
    %dma_start3A_26 = arith.constant 0 : i32
    %dma_start3A_27 = arith.constant 0 : i32
    %dma_start3A_28 = tpu.memref_slice %arg3[%dma_start3A_26, %dma_start3A_27] : memref<1000000x64xf32, #tpu.memory_space<hbm>> -> memref<1000000x64xf32, #tpu.memory_space<hbm>>
    tpu.enqueue_indirect_dma source(%dma_start3A_28 : memref<1000000x64xf32, #tpu.memory_space<hbm>>) target(%dma_start3A_22 : memref<100x64xf32, #tpu.memory_space<vmem>>) offsets(%dma_start3A_25 : memref<100xi32, #tpu.memory_space<vmem>>) semaphore(%arg8 : memref<!tpu.dma_semaphore, #tpu.memory_space<semaphore_mem>>)
    %dma_start3A_29 = arith.constant 2 : i32
    %dma_start3A_30 = arith.constant 1 : i32
    %dma_start3A_31 = arith.constant 0 : i32
    %dma_start3A_32 = arith.constant 0 : i32
    %dma_start3A_33 = arith.constant 0 : i32
    %dma_start3A_34 = tpu.memref_slice %arg6[%dma_start3A_30, %dma_start3A_31, %dma_start3A_32, %dma_start3A_33] : memref<4x2x100x64xf32, #tpu.memory_space<vmem>> -> memref<1x1x100x64xf32, #tpu.memory_space<vmem>>
    %dma_start3A_35 = tpu.memref_squeeze %dma_start3A_34 : memref<1x1x100x64xf32, #tpu.memory_space<vmem>> -> memref<100x64xf32, #tpu.memory_space<vmem>>
    %dma_start3A_36 = arith.constant 0 : i32
    %dma_start3A_37 = tpu.memref_slice %arg5[%dma_start3A_29, %dma_start3A_36] : memref<256x100xi32, #tpu.memory_space<vmem>> -> memref<1x100xi32, #tpu.memory_space<vmem>>
    %dma_start3A_38 = tpu.memref_squeeze %dma_start3A_37 : memref<1x100xi32, #tpu.memory_space<vmem>> -> memref<100xi32, #tpu.memory_space<vmem>>
    %dma_start3A_39 = arith.constant 0 : i32
    %dma_start3A_40 = arith.constant 0 : i32
    %dma_start3A_41 = tpu.memref_slice %arg3[%dma_start3A_39, %dma_start3A_40] : memref<1000000x64xf32, #tpu.memory_space<hbm>> -> memref<1000000x64xf32, #tpu.memory_space<hbm>>
    tpu.enqueue_indirect_dma source(%dma_start3A_41 : memref<1000000x64xf32, #tpu.memory_space<hbm>>) target(%dma_start3A_35 : memref<100x64xf32, #tpu.memory_space<vmem>>) offsets(%dma_start3A_38 : memref<100xi32, #tpu.memory_space<vmem>>) semaphore(%arg9 : memref<!tpu.dma_semaphore, #tpu.memory_space<semaphore_mem>>)
    %dma_start3A_42 = arith.constant 3 : i32
    %dma_start3A_43 = arith.constant 1 : i32
    %dma_start3A_44 = arith.constant 1 : i32
    %dma_start3A_45 = arith.constant 0 : i32
    %dma_start3A_46 = arith.constant 0 : i32
    %dma_start3A_47 = tpu.memref_slice %arg6[%dma_start3A_43, %dma_start3A_44, %dma_start3A_45, %dma_start3A_46] : memref<4x2x100x64xf32, #tpu.memory_space<vmem>> -> memref<1x1x100x64xf32, #tpu.memory_space<vmem>>
    %dma_start3A_48 = tpu.memref_squeeze %dma_start3A_47 : memref<1x1x100x64xf32, #tpu.memory_space<vmem>> -> memref<100x64xf32, #tpu.memory_space<vmem>>
    %dma_start3A_49 = arith.constant 0 : i32
    %dma_start3A_50 = tpu.memref_slice %arg5[%dma_start3A_42, %dma_start3A_49] : memref<256x100xi32, #tpu.memory_space<vmem>> -> memref<1x100xi32, #tpu.memory_space<vmem>>
    %dma_start3A_51 = tpu.memref_squeeze %dma_start3A_50 : memref<1x100xi32, #tpu.memory_space<vmem>> -> memref<100xi32, #tpu.memory_space<vmem>>
    %dma_start3A_52 = arith.constant 0 : i32
    %dma_start3A_53 = arith.constant 0 : i32
    %dma_start3A_54 = tpu.memref_slice %arg3[%dma_start3A_52, %dma_start3A_53] : memref<1000000x64xf32, #tpu.memory_space<hbm>> -> memref<1000000x64xf32, #tpu.memory_space<hbm>>
    tpu.enqueue_indirect_dma source(%dma_start3A_54 : memref<1000000x64xf32, #tpu.memory_space<hbm>>) target(%dma_start3A_48 : memref<100x64xf32, #tpu.memory_space<vmem>>) offsets(%dma_start3A_51 : memref<100xi32, #tpu.memory_space<vmem>>) semaphore(%arg9 : memref<!tpu.dma_semaphore, #tpu.memory_space<semaphore_mem>>)
    %dma_start3A_55 = arith.constant 4 : i32
    %dma_start3A_56 = arith.constant 2 : i32
    %dma_start3A_57 = arith.constant 0 : i32
    %dma_start3A_58 = arith.constant 0 : i32
    %dma_start3A_59 = arith.constant 0 : i32
    %dma_start3A_60 = tpu.memref_slice %arg6[%dma_start3A_56, %dma_start3A_57, %dma_start3A_58, %dma_start3A_59] : memref<4x2x100x64xf32, #tpu.memory_space<vmem>> -> memref<1x1x100x64xf32, #tpu.memory_space<vmem>>
    %dma_start3A_61 = tpu.memref_squeeze %dma_start3A_60 : memref<1x1x100x64xf32, #tpu.memory_space<vmem>> -> memref<100x64xf32, #tpu.memory_space<vmem>>
    %dma_start3A_62 = arith.constant 0 : i32
    %dma_start3A_63 = tpu.memref_slice %arg5[%dma_start3A_55, %dma_start3A_62] : memref<256x100xi32, #tpu.memory_space<vmem>> -> memref<1x100xi32, #tpu.memory_space<vmem>>
    %dma_start3A_64 = tpu.memref_squeeze %dma_start3A_63 : memref<1x100xi32, #tpu.memory_space<vmem>> -> memref<100xi32, #tpu.memory_space<vmem>>
    %dma_start3A_65 = arith.constant 0 : i32
    %dma_start3A_66 = arith.constant 0 : i32
    %dma_start3A_67 = tpu.memref_slice %arg3[%dma_start3A_65, %dma_start3A_66] : memref<1000000x64xf32, #tpu.memory_space<hbm>> -> memref<1000000x64xf32, #tpu.memory_space<hbm>>
    tpu.enqueue_indirect_dma source(%dma_start3A_67 : memref<1000000x64xf32, #tpu.memory_space<hbm>>) target(%dma_start3A_61 : memref<100x64xf32, #tpu.memory_space<vmem>>) offsets(%dma_start3A_64 : memref<100xi32, #tpu.memory_space<vmem>>) semaphore(%arg10 : memref<!tpu.dma_semaphore, #tpu.memory_space<semaphore_mem>>)
    %dma_start3A_68 = arith.constant 5 : i32
    %dma_start3A_69 = arith.constant 2 : i32
    %dma_start3A_70 = arith.constant 1 : i32
    %dma_start3A_71 = arith.constant 0 : i32
    %dma_start3A_72 = arith.constant 0 : i32
    %dma_start3A_73 = tpu.memref_slice %arg6[%dma_start3A_69, %dma_start3A_70, %dma_start3A_71, %dma_start3A_72] : memref<4x2x100x64xf32, #tpu.memory_space<vmem>> -> memref<1x1x100x64xf32, #tpu.memory_space<vmem>>
    %dma_start3A_74 = tpu.memref_squeeze %dma_start3A_73 : memref<1x1x100x64xf32, #tpu.memory_space<vmem>> -> memref<100x64xf32, #tpu.memory_space<vmem>>
    %dma_start3A_75 = arith.constant 0 : i32
    %dma_start3A_76 = tpu.memref_slice %arg5[%dma_start3A_68, %dma_start3A_75] : memref<256x100xi32, #tpu.memory_space<vmem>> -> memref<1x100xi32, #tpu.memory_space<vmem>>
    %dma_start3A_77 = tpu.memref_squeeze %dma_start3A_76 : memref<1x100xi32, #tpu.memory_space<vmem>> -> memref<100xi32, #tpu.memory_space<vmem>>
    %dma_start3A_78 = arith.constant 0 : i32
    %dma_start3A_79 = arith.constant 0 : i32
    %dma_start3A_80 = tpu.memref_slice %arg3[%dma_start3A_78, %dma_start3A_79] : memref<1000000x64xf32, #tpu.memory_space<hbm>> -> memref<1000000x64xf32, #tpu.memory_space<hbm>>
    tpu.enqueue_indirect_dma source(%dma_start3A_80 : memref<1000000x64xf32, #tpu.memory_space<hbm>>) target(%dma_start3A_74 : memref<100x64xf32, #tpu.memory_space<vmem>>) offsets(%dma_start3A_77 : memref<100xi32, #tpu.memory_space<vmem>>) semaphore(%arg10 : memref<!tpu.dma_semaphore, #tpu.memory_space<semaphore_mem>>)
    %dma_start3A_81 = arith.constant 6 : i32
    %dma_start3A_82 = arith.constant 3 : i32
    %dma_start3A_83 = arith.constant 0 : i32
    %dma_start3A_84 = arith.constant 0 : i32
    %dma_start3A_85 = arith.constant 0 : i32
    %dma_start3A_86 = tpu.memref_slice %arg6[%dma_start3A_82, %dma_start3A_83, %dma_start3A_84, %dma_start3A_85] : memref<4x2x100x64xf32, #tpu.memory_space<vmem>> -> memref<1x1x100x64xf32, #tpu.memory_space<vmem>>
    %dma_start3A_87 = tpu.memref_squeeze %dma_start3A_86 : memref<1x1x100x64xf32, #tpu.memory_space<vmem>> -> memref<100x64xf32, #tpu.memory_space<vmem>>
    %dma_start3A_88 = arith.constant 0 : i32
    %dma_start3A_89 = tpu.memref_slice %arg5[%dma_start3A_81, %dma_start3A_88] : memref<256x100xi32, #tpu.memory_space<vmem>> -> memref<1x100xi32, #tpu.memory_space<vmem>>
    %dma_start3A_90 = tpu.memref_squeeze %dma_start3A_89 : memref<1x100xi32, #tpu.memory_space<vmem>> -> memref<100xi32, #tpu.memory_space<vmem>>
    %dma_start3A_91 = arith.constant 0 : i32
    %dma_start3A_92 = arith.constant 0 : i32
    %dma_start3A_93 = tpu.memref_slice %arg3[%dma_start3A_91, %dma_start3A_92] : memref<1000000x64xf32, #tpu.memory_space<hbm>> -> memref<1000000x64xf32, #tpu.memory_space<hbm>>
    tpu.enqueue_indirect_dma source(%dma_start3A_93 : memref<1000000x64xf32, #tpu.memory_space<hbm>>) target(%dma_start3A_87 : memref<100x64xf32, #tpu.memory_space<vmem>>) offsets(%dma_start3A_90 : memref<100xi32, #tpu.memory_space<vmem>>) semaphore(%arg11 : memref<!tpu.dma_semaphore, #tpu.memory_space<semaphore_mem>>)
    %dma_start3A_94 = arith.constant 7 : i32
    %dma_start3A_95 = arith.constant 3 : i32
    %dma_start3A_96 = arith.constant 1 : i32
    %dma_start3A_97 = arith.constant 0 : i32
    %dma_start3A_98 = arith.constant 0 : i32
    %dma_start3A_99 = tpu.memref_slice %arg6[%dma_start3A_95, %dma_start3A_96, %dma_start3A_97, %dma_start3A_98] : memref<4x2x100x64xf32, #tpu.memory_space<vmem>> -> memref<1x1x100x64xf32, #tpu.memory_space<vmem>>
    %dma_start3A_100 = tpu.memref_squeeze %dma_start3A_99 : memref<1x1x100x64xf32, #tpu.memory_space<vmem>> -> memref<100x64xf32, #tpu.memory_space<vmem>>
    %dma_start3A_101 = arith.constant 0 : i32
    %dma_start3A_102 = tpu.memref_slice %arg5[%dma_start3A_94, %dma_start3A_101] : memref<256x100xi32, #tpu.memory_space<vmem>> -> memref<1x100xi32, #tpu.memory_space<vmem>>
    %dma_start3A_103 = tpu.memref_squeeze %dma_start3A_102 : memref<1x100xi32, #tpu.memory_space<vmem>> -> memref<100xi32, #tpu.memory_space<vmem>>
    %dma_start3A_104 = arith.constant 0 : i32
    %dma_start3A_105 = arith.constant 0 : i32
    %dma_start3A_106 = tpu.memref_slice %arg3[%dma_start3A_104, %dma_start3A_105] : memref<1000000x64xf32, #tpu.memory_space<hbm>> -> memref<1000000x64xf32, #tpu.memory_space<hbm>>
    tpu.enqueue_indirect_dma source(%dma_start3A_106 : memref<1000000x64xf32, #tpu.memory_space<hbm>>) target(%dma_start3A_100 : memref<100x64xf32, #tpu.memory_space<vmem>>) offsets(%dma_start3A_103 : memref<100xi32, #tpu.memory_space<vmem>>) semaphore(%arg11 : memref<!tpu.dma_semaphore, #tpu.memory_space<semaphore_mem>>)
    %scan3A = arith.constant 0 : i32
    %scan3A_107 = arith.constant 0 : i32
    %scan3A_108 = arith.constant 32 : i32
    %scan3A_109 = arith.addi %scan3A_107, %scan3A_108 : i32
    %scan3A_110 = arith.constant 1 : i32
    scf.for %scan3A_241 = %scan3A_107 to %scan3A_109 step %scan3A_110  : i32 {
      %mul3A_242 = arith.constant 4 : i32
      %mul3A_243 = arith.muli %mul3A_242, %scan3A_241 : i32
      %add3A_244 = arith.constant 0 : i32
      %add3A_245 = arith.addi %mul3A_243, %add3A_244 : i32
      %dma_wait3A_246 = arith.constant 0 : i32
      %dma_wait3A_247 = arith.constant 0 : i32
      %dma_wait3A_248 = arith.constant 0 : i32
      %dma_wait3A_249 = arith.constant 0 : i32
      %dma_wait3A_250 = tpu.memref_slice %arg6[%dma_wait3A_246, %dma_wait3A_247, %dma_wait3A_248, %dma_wait3A_249] : memref<4x2x100x64xf32, #tpu.memory_space<vmem>> -> memref<1x1x100x64xf32, #tpu.memory_space<vmem>>
      %dma_wait3A_251 = tpu.memref_squeeze %dma_wait3A_250 : memref<1x1x100x64xf32, #tpu.memory_space<vmem>> -> memref<100x64xf32, #tpu.memory_space<vmem>>
      %dma_wait3A_252 = arith.constant 0 : i32
      %dma_wait3A_253 = arith.constant 0 : i32
      %dma_wait3A_254 = tpu.memref_slice %arg3[%dma_wait3A_252, %dma_wait3A_253] : memref<1000000x64xf32, #tpu.memory_space<hbm>> -> memref<100x64xf32, #tpu.memory_space<hbm>>
      %dma_wait3A_255 = arith.constant 0 : i32
      %dma_wait3A_256 = arith.constant 0 : i32
      %dma_wait3A_257 = tpu.memref_slice %arg6[%dma_wait3A_246, %dma_wait3A_247, %dma_wait3A_255, %dma_wait3A_256] : memref<4x2x100x64xf32, #tpu.memory_space<vmem>> -> memref<1x1x100x64xf32, #tpu.memory_space<vmem>>
      %dma_wait3A_258 = tpu.memref_squeeze %dma_wait3A_257 : memref<1x1x100x64xf32, #tpu.memory_space<vmem>> -> memref<100x64xf32, #tpu.memory_space<vmem>>
      %dma_wait3A_259 = arith.constant 0 : i32
      %dma_wait3A_260 = arith.constant 0 : i32
      %dma_wait3A_261 = tpu.memref_slice %arg3[%dma_wait3A_259, %dma_wait3A_260] : memref<1000000x64xf32, #tpu.memory_space<hbm>> -> memref<100x64xf32, #tpu.memory_space<hbm>>
      tpu.wait_dma2 semaphore(%arg8 : memref<!tpu.dma_semaphore, #tpu.memory_space<semaphore_mem>>) src(%dma_wait3A_261 : memref<100x64xf32, #tpu.memory_space<hbm>>) dst(%dma_wait3A_258 : memref<100x64xf32, #tpu.memory_space<vmem>>)
      %dma_wait3A_262 = arith.constant 0 : i32
      %dma_wait3A_263 = arith.constant 1 : i32
      %dma_wait3A_264 = arith.constant 0 : i32
      %dma_wait3A_265 = arith.constant 0 : i32
      %dma_wait3A_266 = tpu.memref_slice %arg6[%dma_wait3A_262, %dma_wait3A_263, %dma_wait3A_264, %dma_wait3A_265] : memref<4x2x100x64xf32, #tpu.memory_space<vmem>> -> memref<1x1x100x64xf32, #tpu.memory_space<vmem>>
      %dma_wait3A_267 = tpu.memref_squeeze %dma_wait3A_266 : memref<1x1x100x64xf32, #tpu.memory_space<vmem>> -> memref<100x64xf32, #tpu.memory_space<vmem>>
      %dma_wait3A_268 = arith.constant 0 : i32
      %dma_wait3A_269 = arith.constant 0 : i32
      %dma_wait3A_270 = tpu.memref_slice %arg3[%dma_wait3A_268, %dma_wait3A_269] : memref<1000000x64xf32, #tpu.memory_space<hbm>> -> memref<100x64xf32, #tpu.memory_space<hbm>>
      %dma_wait3A_271 = arith.constant 0 : i32
      %dma_wait3A_272 = arith.constant 0 : i32
      %dma_wait3A_273 = tpu.memref_slice %arg6[%dma_wait3A_262, %dma_wait3A_263, %dma_wait3A_271, %dma_wait3A_272] : memref<4x2x100x64xf32, #tpu.memory_space<vmem>> -> memref<1x1x100x64xf32, #tpu.memory_space<vmem>>
      %dma_wait3A_274 = tpu.memref_squeeze %dma_wait3A_273 : memref<1x1x100x64xf32, #tpu.memory_space<vmem>> -> memref<100x64xf32, #tpu.memory_space<vmem>>
      %dma_wait3A_275 = arith.constant 0 : i32
      %dma_wait3A_276 = arith.constant 0 : i32
      %dma_wait3A_277 = tpu.memref_slice %arg3[%dma_wait3A_275, %dma_wait3A_276] : memref<1000000x64xf32, #tpu.memory_space<hbm>> -> memref<100x64xf32, #tpu.memory_space<hbm>>
      tpu.wait_dma2 semaphore(%arg8 : memref<!tpu.dma_semaphore, #tpu.memory_space<semaphore_mem>>) src(%dma_wait3A_277 : memref<100x64xf32, #tpu.memory_space<hbm>>) dst(%dma_wait3A_274 : memref<100x64xf32, #tpu.memory_space<vmem>>)
      %parallel_loop3A = arith.constant 0 : i32
      %parallel_loop3A_278 = arith.constant 100 : i32
      %parallel_loop3A_279 = arith.constant 1 : i32
      %parallel_loop3A_280 = arith.constant 0 : i32
      %parallel_loop3A_281 = arith.constant 0 : i32
      %parallel_loop3A_282 = arith.constant 0 : i32
      %parallel_loop3A_283 = arith.constant 1 : i32
      %parallel_loop3A_284:8 = scf.for %parallel_loop3A_646 = %parallel_loop3A to %parallel_loop3A_278 step %parallel_loop3A_279 iter_args(%parallel_loop3A_647 = %broadcast_in_dim3A_3, %parallel_loop3A_648 = %broadcast_in_dim3A_3, %parallel_loop3A_649 = %broadcast_in_dim3A_3, %parallel_loop3A_650 = %broadcast_in_dim3A_3, %parallel_loop3A_651 = %broadcast_in_dim3A_3, %parallel_loop3A_652 = %broadcast_in_dim3A_3, %parallel_loop3A_653 = %broadcast_in_dim3A_3, %parallel_loop3A_654 = %broadcast_in_dim3A_3) -> (vector<16xf32>, vector<16xf32>, vector<16xf32>, vector<16xf32>, vector<16xf32>, vector<16xf32>, vector<16xf32>, vector<16xf32>)  : i32 {
        %parallel_loop3A_655 = arith.constant 0 : i32
        %parallel_loop3A_656 = arith.constant 0 : i32
        %parallel_loop3A_657 = tpu.memref_slice %arg6[%parallel_loop3A_280, %parallel_loop3A_281, %parallel_loop3A_655, %parallel_loop3A_656] : memref<4x2x100x64xf32, #tpu.memory_space<vmem>> -> memref<1x1x100x64xf32, #tpu.memory_space<vmem>>
        %parallel_loop3A_658 = tpu.memref_squeeze %parallel_loop3A_657 : memref<1x1x100x64xf32, #tpu.memory_space<vmem>> -> memref<100x64xf32, #tpu.memory_space<vmem>>
        %parallel_loop3A_659 = arith.index_cast %parallel_loop3A_646 : i32 to index
        %parallel_loop3A_660 = arith.constant 0 : index
        %parallel_loop3A_661 = tpu.vector_load %parallel_loop3A_658[%parallel_loop3A_659, %parallel_loop3A_660] {strides = array<i32>} : memref<100x64xf32, #tpu.memory_space<vmem>>, vector<1x16xf32>,
        %parallel_loop3A_662 = vector.shape_cast %parallel_loop3A_661 : vector<1x16xf32> to vector<16xf32>
        %parallel_loop3A_663 = arith.maximumf %parallel_loop3A_647, %parallel_loop3A_662 : vector<16xf32>
        %parallel_loop3A_664 = arith.constant 0 : i32
        %parallel_loop3A_665 = arith.constant 0 : i32
        %parallel_loop3A_666 = tpu.memref_slice %arg6[%parallel_loop3A_280, %parallel_loop3A_281, %parallel_loop3A_664, %parallel_loop3A_665] : memref<4x2x100x64xf32, #tpu.memory_space<vmem>> -> memref<1x1x100x64xf32, #tpu.memory_space<vmem>>
        %parallel_loop3A_667 = tpu.memref_squeeze %parallel_loop3A_666 : memref<1x1x100x64xf32, #tpu.memory_space<vmem>> -> memref<100x64xf32, #tpu.memory_space<vmem>>
        %parallel_loop3A_668 = arith.index_cast %parallel_loop3A_646 : i32 to index
        %parallel_loop3A_669 = arith.constant 16 : index
        %parallel_loop3A_670 = tpu.vector_load %parallel_loop3A_667[%parallel_loop3A_668, %parallel_loop3A_669] {strides = array<i32>} : memref<100x64xf32, #tpu.memory_space<vmem>>, vector<1x16xf32>,
        %parallel_loop3A_671 = vector.shape_cast %parallel_loop3A_670 : vector<1x16xf32> to vector<16xf32>
        %parallel_loop3A_672 = arith.maximumf %parallel_loop3A_648, %parallel_loop3A_671 : vector<16xf32>
        %parallel_loop3A_673 = arith.constant 0 : i32
        %parallel_loop3A_674 = arith.constant 0 : i32
        %parallel_loop3A_675 = tpu.memref_slice %arg6[%parallel_loop3A_280, %parallel_loop3A_281, %parallel_loop3A_673, %parallel_loop3A_674] : memref<4x2x100x64xf32, #tpu.memory_space<vmem>> -> memref<1x1x100x64xf32, #tpu.memory_space<vmem>>
        %parallel_loop3A_676 = tpu.memref_squeeze %parallel_loop3A_675 : memref<1x1x100x64xf32, #tpu.memory_space<vmem>> -> memref<100x64xf32, #tpu.memory_space<vmem>>
        %parallel_loop3A_677 = arith.index_cast %parallel_loop3A_646 : i32 to index
        %parallel_loop3A_678 = arith.constant 32 : index
        %parallel_loop3A_679 = tpu.vector_load %parallel_loop3A_676[%parallel_loop3A_677, %parallel_loop3A_678] {strides = array<i32>} : memref<100x64xf32, #tpu.memory_space<vmem>>, vector<1x16xf32>,
        %parallel_loop3A_680 = vector.shape_cast %parallel_loop3A_679 : vector<1x16xf32> to vector<16xf32>
        %parallel_loop3A_681 = arith.maximumf %parallel_loop3A_649, %parallel_loop3A_680 : vector<16xf32>
        %parallel_loop3A_682 = arith.constant 0 : i32
        %parallel_loop3A_683 = arith.constant 0 : i32
        %parallel_loop3A_684 = tpu.memref_slice %arg6[%parallel_loop3A_280, %parallel_loop3A_281, %parallel_loop3A_682, %parallel_loop3A_683] : memref<4x2x100x64xf32, #tpu.memory_space<vmem>> -> memref<1x1x100x64xf32, #tpu.memory_space<vmem>>
        %parallel_loop3A_685 = tpu.memref_squeeze %parallel_loop3A_684 : memref<1x1x100x64xf32, #tpu.memory_space<vmem>> -> memref<100x64xf32, #tpu.memory_space<vmem>>
        %parallel_loop3A_686 = arith.index_cast %parallel_loop3A_646 : i32 to index
        %parallel_loop3A_687 = arith.constant 48 : index
        %parallel_loop3A_688 = tpu.vector_load %parallel_loop3A_685[%parallel_loop3A_686, %parallel_loop3A_687] {strides = array<i32>} : memref<100x64xf32, #tpu.memory_space<vmem>>, vector<1x16xf32>,
        %parallel_loop3A_689 = vector.shape_cast %parallel_loop3A_688 : vector<1x16xf32> to vector<16xf32>
        %parallel_loop3A_690 = arith.maximumf %parallel_loop3A_650, %parallel_loop3A_689 : vector<16xf32>
        %parallel_loop3A_691 = arith.constant 0 : i32
        %parallel_loop3A_692 = arith.constant 0 : i32
        %parallel_loop3A_693 = tpu.memref_slice %arg6[%parallel_loop3A_282, %parallel_loop3A_283, %parallel_loop3A_691, %parallel_loop3A_692] : memref<4x2x100x64xf32, #tpu.memory_space<vmem>> -> memref<1x1x100x64xf32, #tpu.memory_space<vmem>>
        %parallel_loop3A_694 = tpu.memref_squeeze %parallel_loop3A_693 : memref<1x1x100x64xf32, #tpu.memory_space<vmem>> -> memref<100x64xf32, #tpu.memory_space<vmem>>
        %parallel_loop3A_695 = arith.index_cast %parallel_loop3A_646 : i32 to index
        %parallel_loop3A_696 = arith.constant 0 : index
        %parallel_loop3A_697 = tpu.vector_load %parallel_loop3A_694[%parallel_loop3A_695, %parallel_loop3A_696] {strides = array<i32>} : memref<100x64xf32, #tpu.memory_space<vmem>>, vector<1x16xf32>,
        %parallel_loop3A_698 = vector.shape_cast %parallel_loop3A_697 : vector<1x16xf32> to vector<16xf32>
        %parallel_loop3A_699 = arith.maximumf %parallel_loop3A_651, %parallel_loop3A_698 : vector<16xf32>
        %parallel_loop3A_700 = arith.constant 0 : i32
        %parallel_loop3A_701 = arith.constant 0 : i32
        %parallel_loop3A_702 = tpu.memref_slice %arg6[%parallel_loop3A_282, %parallel_loop3A_283, %parallel_loop3A_700, %parallel_loop3A_701] : memref<4x2x100x64xf32, #tpu.memory_space<vmem>> -> memref<1x1x100x64xf32, #tpu.memory_space<vmem>>
        %parallel_loop3A_703 = tpu.memref_squeeze %parallel_loop3A_702 : memref<1x1x100x64xf32, #tpu.memory_space<vmem>> -> memref<100x64xf32, #tpu.memory_space<vmem>>
        %parallel_loop3A_704 = arith.index_cast %parallel_loop3A_646 : i32 to index
        %parallel_loop3A_705 = arith.constant 16 : index
        %parallel_loop3A_706 = tpu.vector_load %parallel_loop3A_703[%parallel_loop3A_704, %parallel_loop3A_705] {strides = array<i32>} : memref<100x64xf32, #tpu.memory_space<vmem>>, vector<1x16xf32>,
        %parallel_loop3A_707 = vector.shape_cast %parallel_loop3A_706 : vector<1x16xf32> to vector<16xf32>
        %parallel_loop3A_708 = arith.maximumf %parallel_loop3A_652, %parallel_loop3A_707 : vector<16xf32>
        %parallel_loop3A_709 = arith.constant 0 : i32
        %parallel_loop3A_710 = arith.constant 0 : i32
        %parallel_loop3A_711 = tpu.memref_slice %arg6[%parallel_loop3A_282, %parallel_loop3A_283, %parallel_loop3A_709, %parallel_loop3A_710] : memref<4x2x100x64xf32, #tpu.memory_space<vmem>> -> memref<1x1x100x64xf32, #tpu.memory_space<vmem>>
        %parallel_loop3A_712 = tpu.memref_squeeze %parallel_loop3A_711 : memref<1x1x100x64xf32, #tpu.memory_space<vmem>> -> memref<100x64xf32, #tpu.memory_space<vmem>>
        %parallel_loop3A_713 = arith.index_cast %parallel_loop3A_646 : i32 to index
        %parallel_loop3A_714 = arith.constant 32 : index
        %parallel_loop3A_715 = tpu.vector_load %parallel_loop3A_712[%parallel_loop3A_713, %parallel_loop3A_714] {strides = array<i32>} : memref<100x64xf32, #tpu.memory_space<vmem>>, vector<1x16xf32>,
        %parallel_loop3A_716 = vector.shape_cast %parallel_loop3A_715 : vector<1x16xf32> to vector<16xf32>
        %parallel_loop3A_717 = arith.maximumf %parallel_loop3A_653, %parallel_loop3A_716 : vector<16xf32>
        %parallel_loop3A_718 = arith.constant 0 : i32
        %parallel_loop3A_719 = arith.constant 0 : i32
        %parallel_loop3A_720 = tpu.memref_slice %arg6[%parallel_loop3A_282, %parallel_loop3A_283, %parallel_loop3A_718, %parallel_loop3A_719] : memref<4x2x100x64xf32, #tpu.memory_space<vmem>> -> memref<1x1x100x64xf32, #tpu.memory_space<vmem>>
        %parallel_loop3A_721 = tpu.memref_squeeze %parallel_loop3A_720 : memref<1x1x100x64xf32, #tpu.memory_space<vmem>> -> memref<100x64xf32, #tpu.memory_space<vmem>>
        %parallel_loop3A_722 = arith.index_cast %parallel_loop3A_646 : i32 to index
        %parallel_loop3A_723 = arith.constant 48 : index
        %parallel_loop3A_724 = tpu.vector_load %parallel_loop3A_721[%parallel_loop3A_722, %parallel_loop3A_723] {strides = array<i32>} : memref<100x64xf32, #tpu.memory_space<vmem>>, vector<1x16xf32>,
        %parallel_loop3A_725 = vector.shape_cast %parallel_loop3A_724 : vector<1x16xf32> to vector<16xf32>
        %parallel_loop3A_726 = arith.maximumf %parallel_loop3A_654, %parallel_loop3A_725 : vector<16xf32>
        scf.yield %parallel_loop3A_663, %parallel_loop3A_672, %parallel_loop3A_681, %parallel_loop3A_690, %parallel_loop3A_699, %parallel_loop3A_708, %parallel_loop3A_717, %parallel_loop3A_726 : vector<16xf32>, vector<16xf32>, vector<16xf32>, vector<16xf32>, vector<16xf32>, vector<16xf32>, vector<16xf32>, vector<16xf32>
      } {sc.loop_unroll_factor = 4 : i64, sc.parallel_access}
      %max3A = arith.maximumf %parallel_loop3A_284#0, %parallel_loop3A_284#4 : vector<16xf32>
      %max3A_285 = arith.maximumf %parallel_loop3A_284#1, %parallel_loop3A_284#5 : vector<16xf32>
      %max3A_286 = arith.maximumf %parallel_loop3A_284#2, %parallel_loop3A_284#6 : vector<16xf32>
      %max3A_287 = arith.maximumf %parallel_loop3A_284#3, %parallel_loop3A_284#7 : vector<16xf32>
      %swap3A = arith.index_cast %add3A_245 : i32 to index
      %swap3A_288 = arith.constant 0 : index
      %swap3A_289 = tpu.vector_load %arg7[%swap3A, %swap3A_288] {strides = array<i32>} : memref<128x64xf32, #tpu.memory_space<vmem>>, vector<1x16xf32>,
      %swap3A_290 = vector.shape_cast %swap3A_289 : vector<1x16xf32> to vector<16xf32>
      %swap3A_291 = vector.shape_cast %max3A : vector<16xf32> to vector<1x16xf32>
      tpu.vector_store %arg7[%swap3A, %swap3A_288], %swap3A_291 {strides = array<i32>} : memref<128x64xf32, #tpu.memory_space<vmem>>, vector<1x16xf32>,
      %swap3A_292 = arith.index_cast %add3A_245 : i32 to index
      %swap3A_293 = arith.constant 16 : index
      %swap3A_294 = tpu.vector_load %arg7[%swap3A_292, %swap3A_293] {strides = array<i32>} : memref<128x64xf32, #tpu.memory_space<vmem>>, vector<1x16xf32>,
      %swap3A_295 = vector.shape_cast %swap3A_294 : vector<1x16xf32> to vector<16xf32>
      %swap3A_296 = vector.shape_cast %max3A_285 : vector<16xf32> to vector<1x16xf32>
      tpu.vector_store %arg7[%swap3A_292, %swap3A_293], %swap3A_296 {strides = array<i32>} : memref<128x64xf32, #tpu.memory_space<vmem>>, vector<1x16xf32>,
      %swap3A_297 = arith.index_cast %add3A_245 : i32 to index
      %swap3A_298 = arith.constant 32 : index
      %swap3A_299 = tpu.vector_load %arg7[%swap3A_297, %swap3A_298] {strides = array<i32>} : memref<128x64xf32, #tpu.memory_space<vmem>>, vector<1x16xf32>,
      %swap3A_300 = vector.shape_cast %swap3A_299 : vector<1x16xf32> to vector<16xf32>
      %swap3A_301 = vector.shape_cast %max3A_286 : vector<16xf32> to vector<1x16xf32>
      tpu.vector_store %arg7[%swap3A_297, %swap3A_298], %swap3A_301 {strides = array<i32>} : memref<128x64xf32, #tpu.memory_space<vmem>>, vector<1x16xf32>,
      %swap3A_302 = arith.index_cast %add3A_245 : i32 to index
      %swap3A_303 = arith.constant 48 : index
      %swap3A_304 = tpu.vector_load %arg7[%swap3A_302, %swap3A_303] {strides = array<i32>} : memref<128x64xf32, #tpu.memory_space<vmem>>, vector<1x16xf32>,
      %swap3A_305 = vector.shape_cast %swap3A_304 : vector<1x16xf32> to vector<16xf32>
      %swap3A_306 = vector.shape_cast %max3A_287 : vector<16xf32> to vector<1x16xf32>
      tpu.vector_store %arg7[%swap3A_302, %swap3A_303], %swap3A_306 {strides = array<i32>} : memref<128x64xf32, #tpu.memory_space<vmem>>, vector<1x16xf32>,
      %add3A_307 = arith.constant 4 : i32
      %add3A_308 = arith.addi %add3A_245, %add3A_307 : i32
      %rem3A = arith.constant 128 : i32
      %rem3A_309 = arith.remsi %add3A_308, %rem3A : i32
      %mul3A_310 = arith.constant 2 : i32
      %mul3A_311 = arith.muli %mul3A_310, %rem3A_309 : i32
      %dma_start3A_312 = arith.constant 0 : i32
      %dma_start3A_313 = arith.constant 0 : i32
      %dma_start3A_314 = arith.constant 0 : i32
      %dma_start3A_315 = arith.constant 0 : i32
      %dma_start3A_316 = tpu.memref_slice %arg6[%dma_start3A_312, %dma_start3A_313, %dma_start3A_314, %dma_start3A_315] : memref<4x2x100x64xf32, #tpu.memory_space<vmem>> -> memref<1x1x100x64xf32, #tpu.memory_space<vmem>>
      %dma_start3A_317 = tpu.memref_squeeze %dma_start3A_316 : memref<1x1x100x64xf32, #tpu.memory_space<vmem>> -> memref<100x64xf32, #tpu.memory_space<vmem>>
      %dma_start3A_318 = arith.constant 0 : i32
      %dma_start3A_319 = tpu.memref_slice %arg5[%mul3A_311, %dma_start3A_318] : memref<256x100xi32, #tpu.memory_space<vmem>> -> memref<1x100xi32, #tpu.memory_space<vmem>>
      %dma_start3A_320 = tpu.memref_squeeze %dma_start3A_319 : memref<1x100xi32, #tpu.memory_space<vmem>> -> memref<100xi32, #tpu.memory_space<vmem>>
      %dma_start3A_321 = arith.constant 0 : i32
      %dma_start3A_322 = arith.constant 0 : i32
      %dma_start3A_323 = tpu.memref_slice %arg3[%dma_start3A_321, %dma_start3A_322] : memref<1000000x64xf32, #tpu.memory_space<hbm>> -> memref<1000000x64xf32, #tpu.memory_space<hbm>>
      tpu.enqueue_indirect_dma source(%dma_start3A_323 : memref<1000000x64xf32, #tpu.memory_space<hbm>>) target(%dma_start3A_317 : memref<100x64xf32, #tpu.memory_space<vmem>>) offsets(%dma_start3A_320 : memref<100xi32, #tpu.memory_space<vmem>>) semaphore(%arg8 : memref<!tpu.dma_semaphore, #tpu.memory_space<semaphore_mem>>)
      %mul3A_324 = arith.constant 2 : i32
      %mul3A_325 = arith.muli %mul3A_324, %rem3A_309 : i32
      %add3A_326 = arith.constant 1 : i32
      %add3A_327 = arith.addi %mul3A_325, %add3A_326 : i32
      %dma_start3A_328 = arith.constant 0 : i32
      %dma_start3A_329 = arith.constant 1 : i32
      %dma_start3A_330 = arith.constant 0 : i32
      %dma_start3A_331 = arith.constant 0 : i32
      %dma_start3A_332 = tpu.memref_slice %arg6[%dma_start3A_328, %dma_start3A_329, %dma_start3A_330, %dma_start3A_331] : memref<4x2x100x64xf32, #tpu.memory_space<vmem>> -> memref<1x1x100x64xf32, #tpu.memory_space<vmem>>
      %dma_start3A_333 = tpu.memref_squeeze %dma_start3A_332 : memref<1x1x100x64xf32, #tpu.memory_space<vmem>> -> memref<100x64xf32, #tpu.memory_space<vmem>>
      %dma_start3A_334 = arith.constant 0 : i32
      %dma_start3A_335 = tpu.memref_slice %arg5[%add3A_327, %dma_start3A_334] : memref<256x100xi32, #tpu.memory_space<vmem>> -> memref<1x100xi32, #tpu.memory_space<vmem>>
      %dma_start3A_336 = tpu.memref_squeeze %dma_start3A_335 : memref<1x100xi32, #tpu.memory_space<vmem>> -> memref<100xi32, #tpu.memory_space<vmem>>
      %dma_start3A_337 = arith.constant 0 : i32
      %dma_start3A_338 = arith.constant 0 : i32
      %dma_start3A_339 = tpu.memref_slice %arg3[%dma_start3A_337, %dma_start3A_338] : memref<1000000x64xf32, #tpu.memory_space<hbm>> -> memref<1000000x64xf32, #tpu.memory_space<hbm>>
      tpu.enqueue_indirect_dma source(%dma_start3A_339 : memref<1000000x64xf32, #tpu.memory_space<hbm>>) target(%dma_start3A_333 : memref<100x64xf32, #tpu.memory_space<vmem>>) offsets(%dma_start3A_336 : memref<100xi32, #tpu.memory_space<vmem>>) semaphore(%arg8 : memref<!tpu.dma_semaphore, #tpu.memory_space<semaphore_mem>>)
      %mul3A_340 = arith.constant 4 : i32
      %mul3A_341 = arith.muli %mul3A_340, %scan3A_241 : i32
      %add3A_342 = arith.constant 1 : i32
      %add3A_343 = arith.addi %mul3A_341, %add3A_342 : i32
      %dma_wait3A_344 = arith.constant 1 : i32
      %dma_wait3A_345 = arith.constant 0 : i32
      %dma_wait3A_346 = arith.constant 0 : i32
      %dma_wait3A_347 = arith.constant 0 : i32
      %dma_wait3A_348 = tpu.memref_slice %arg6[%dma_wait3A_344, %dma_wait3A_345, %dma_wait3A_346, %dma_wait3A_347] : memref<4x2x100x64xf32, #tpu.memory_space<vmem>> -> memref<1x1x100x64xf32, #tpu.memory_space<vmem>>
      %dma_wait3A_349 = tpu.memref_squeeze %dma_wait3A_348 : memref<1x1x100x64xf32, #tpu.memory_space<vmem>> -> memref<100x64xf32, #tpu.memory_space<vmem>>
      %dma_wait3A_350 = arith.constant 0 : i32
      %dma_wait3A_351 = arith.constant 0 : i32
      %dma_wait3A_352 = tpu.memref_slice %arg3[%dma_wait3A_350, %dma_wait3A_351] : memref<1000000x64xf32, #tpu.memory_space<hbm>> -> memref<100x64xf32, #tpu.memory_space<hbm>>
      %dma_wait3A_353 = arith.constant 0 : i32
      %dma_wait3A_354 = arith.constant 0 : i32
      %dma_wait3A_355 = tpu.memref_slice %arg6[%dma_wait3A_344, %dma_wait3A_345, %dma_wait3A_353, %dma_wait3A_354] : memref<4x2x100x64xf32, #tpu.memory_space<vmem>> -> memref<1x1x100x64xf32, #tpu.memory_space<vmem>>
      %dma_wait3A_356 = tpu.memref_squeeze %dma_wait3A_355 : memref<1x1x100x64xf32, #tpu.memory_space<vmem>> -> memref<100x64xf32, #tpu.memory_space<vmem>>
      %dma_wait3A_357 = arith.constant 0 : i32
      %dma_wait3A_358 = arith.constant 0 : i32
      %dma_wait3A_359 = tpu.memref_slice %arg3[%dma_wait3A_357, %dma_wait3A_358] : memref<1000000x64xf32, #tpu.memory_space<hbm>> -> memref<100x64xf32, #tpu.memory_space<hbm>>
      tpu.wait_dma2 semaphore(%arg9 : memref<!tpu.dma_semaphore, #tpu.memory_space<semaphore_mem>>) src(%dma_wait3A_359 : memref<100x64xf32, #tpu.memory_space<hbm>>) dst(%dma_wait3A_356 : memref<100x64xf32, #tpu.memory_space<vmem>>)
      %dma_wait3A_360 = arith.constant 1 : i32
      %dma_wait3A_361 = arith.constant 1 : i32
      %dma_wait3A_362 = arith.constant 0 : i32
      %dma_wait3A_363 = arith.constant 0 : i32
      %dma_wait3A_364 = tpu.memref_slice %arg6[%dma_wait3A_360, %dma_wait3A_361, %dma_wait3A_362, %dma_wait3A_363] : memref<4x2x100x64xf32, #tpu.memory_space<vmem>> -> memref<1x1x100x64xf32, #tpu.memory_space<vmem>>
      %dma_wait3A_365 = tpu.memref_squeeze %dma_wait3A_364 : memref<1x1x100x64xf32, #tpu.memory_space<vmem>> -> memref<100x64xf32, #tpu.memory_space<vmem>>
      %dma_wait3A_366 = arith.constant 0 : i32
      %dma_wait3A_367 = arith.constant 0 : i32
      %dma_wait3A_368 = tpu.memref_slice %arg3[%dma_wait3A_366, %dma_wait3A_367] : memref<1000000x64xf32, #tpu.memory_space<hbm>> -> memref<100x64xf32, #tpu.memory_space<hbm>>
      %dma_wait3A_369 = arith.constant 0 : i32
      %dma_wait3A_370 = arith.constant 0 : i32
      %dma_wait3A_371 = tpu.memref_slice %arg6[%dma_wait3A_360, %dma_wait3A_361, %dma_wait3A_369, %dma_wait3A_370] : memref<4x2x100x64xf32, #tpu.memory_space<vmem>> -> memref<1x1x100x64xf32, #tpu.memory_space<vmem>>
      %dma_wait3A_372 = tpu.memref_squeeze %dma_wait3A_371 : memref<1x1x100x64xf32, #tpu.memory_space<vmem>> -> memref<100x64xf32, #tpu.memory_space<vmem>>
      %dma_wait3A_373 = arith.constant 0 : i32
      %dma_wait3A_374 = arith.constant 0 : i32
      %dma_wait3A_375 = tpu.memref_slice %arg3[%dma_wait3A_373, %dma_wait3A_374] : memref<1000000x64xf32, #tpu.memory_space<hbm>> -> memref<100x64xf32, #tpu.memory_space<hbm>>
      tpu.wait_dma2 semaphore(%arg9 : memref<!tpu.dma_semaphore, #tpu.memory_space<semaphore_mem>>) src(%dma_wait3A_375 : memref<100x64xf32, #tpu.memory_space<hbm>>) dst(%dma_wait3A_372 : memref<100x64xf32, #tpu.memory_space<vmem>>)
      %parallel_loop3A_376 = arith.constant 0 : i32
      %parallel_loop3A_377 = arith.constant 100 : i32
      %parallel_loop3A_378 = arith.constant 1 : i32
      %parallel_loop3A_379 = arith.constant 1 : i32
      %parallel_loop3A_380 = arith.constant 0 : i32
      %parallel_loop3A_381 = arith.constant 1 : i32
      %parallel_loop3A_382 = arith.constant 1 : i32
      %parallel_loop3A_383:8 = scf.for %parallel_loop3A_646 = %parallel_loop3A_376 to %parallel_loop3A_377 step %parallel_loop3A_378 iter_args(%parallel_loop3A_647 = %broadcast_in_dim3A_3, %parallel_loop3A_648 = %broadcast_in_dim3A_3, %parallel_loop3A_649 = %broadcast_in_dim3A_3, %parallel_loop3A_650 = %broadcast_in_dim3A_3, %parallel_loop3A_651 = %broadcast_in_dim3A_3, %parallel_loop3A_652 = %broadcast_in_dim3A_3, %parallel_loop3A_653 = %broadcast_in_dim3A_3, %parallel_loop3A_654 = %broadcast_in_dim3A_3) -> (vector<16xf32>, vector<16xf32>, vector<16xf32>, vector<16xf32>, vector<16xf32>, vector<16xf32>, vector<16xf32>, vector<16xf32>)  : i32 {
        %parallel_loop3A_655 = arith.constant 0 : i32
        %parallel_loop3A_656 = arith.constant 0 : i32
        %parallel_loop3A_657 = tpu.memref_slice %arg6[%parallel_loop3A_379, %parallel_loop3A_380, %parallel_loop3A_655, %parallel_loop3A_656] : memref<4x2x100x64xf32, #tpu.memory_space<vmem>> -> memref<1x1x100x64xf32, #tpu.memory_space<vmem>>
        %parallel_loop3A_658 = tpu.memref_squeeze %parallel_loop3A_657 : memref<1x1x100x64xf32, #tpu.memory_space<vmem>> -> memref<100x64xf32, #tpu.memory_space<vmem>>
        %parallel_loop3A_659 = arith.index_cast %parallel_loop3A_646 : i32 to index
        %parallel_loop3A_660 = arith.constant 0 : index
        %parallel_loop3A_661 = tpu.vector_load %parallel_loop3A_658[%parallel_loop3A_659, %parallel_loop3A_660] {strides = array<i32>} : memref<100x64xf32, #tpu.memory_space<vmem>>, vector<1x16xf32>,
        %parallel_loop3A_662 = vector.shape_cast %parallel_loop3A_661 : vector<1x16xf32> to vector<16xf32>
        %parallel_loop3A_663 = arith.maximumf %parallel_loop3A_647, %parallel_loop3A_662 : vector<16xf32>
        %parallel_loop3A_664 = arith.constant 0 : i32
        %parallel_loop3A_665 = arith.constant 0 : i32
        %parallel_loop3A_666 = tpu.memref_slice %arg6[%parallel_loop3A_379, %parallel_loop3A_380, %parallel_loop3A_664, %parallel_loop3A_665] : memref<4x2x100x64xf32, #tpu.memory_space<vmem>> -> memref<1x1x100x64xf32, #tpu.memory_space<vmem>>
        %parallel_loop3A_667 = tpu.memref_squeeze %parallel_loop3A_666 : memref<1x1x100x64xf32, #tpu.memory_space<vmem>> -> memref<100x64xf32, #tpu.memory_space<vmem>>
        %parallel_loop3A_668 = arith.index_cast %parallel_loop3A_646 : i32 to index
        %parallel_loop3A_669 = arith.constant 16 : index
        %parallel_loop3A_670 = tpu.vector_load %parallel_loop3A_667[%parallel_loop3A_668, %parallel_loop3A_669] {strides = array<i32>} : memref<100x64xf32, #tpu.memory_space<vmem>>, vector<1x16xf32>,
        %parallel_loop3A_671 = vector.shape_cast %parallel_loop3A_670 : vector<1x16xf32> to vector<16xf32>
        %parallel_loop3A_672 = arith.maximumf %parallel_loop3A_648, %parallel_loop3A_671 : vector<16xf32>
        %parallel_loop3A_673 = arith.constant 0 : i32
        %parallel_loop3A_674 = arith.constant 0 : i32
        %parallel_loop3A_675 = tpu.memref_slice %arg6[%parallel_loop3A_379, %parallel_loop3A_380, %parallel_loop3A_673, %parallel_loop3A_674] : memref<4x2x100x64xf32, #tpu.memory_space<vmem>> -> memref<1x1x100x64xf32, #tpu.memory_space<vmem>>
        %parallel_loop3A_676 = tpu.memref_squeeze %parallel_loop3A_675 : memref<1x1x100x64xf32, #tpu.memory_space<vmem>> -> memref<100x64xf32, #tpu.memory_space<vmem>>
        %parallel_loop3A_677 = arith.index_cast %parallel_loop3A_646 : i32 to index
        %parallel_loop3A_678 = arith.constant 32 : index
        %parallel_loop3A_679 = tpu.vector_load %parallel_loop3A_676[%parallel_loop3A_677, %parallel_loop3A_678] {strides = array<i32>} : memref<100x64xf32, #tpu.memory_space<vmem>>, vector<1x16xf32>,
        %parallel_loop3A_680 = vector.shape_cast %parallel_loop3A_679 : vector<1x16xf32> to vector<16xf32>
        %parallel_loop3A_681 = arith.maximumf %parallel_loop3A_649, %parallel_loop3A_680 : vector<16xf32>
        %parallel_loop3A_682 = arith.constant 0 : i32
        %parallel_loop3A_683 = arith.constant 0 : i32
        %parallel_loop3A_684 = tpu.memref_slice %arg6[%parallel_loop3A_379, %parallel_loop3A_380, %parallel_loop3A_682, %parallel_loop3A_683] : memref<4x2x100x64xf32, #tpu.memory_space<vmem>> -> memref<1x1x100x64xf32, #tpu.memory_space<vmem>>
        %parallel_loop3A_685 = tpu.memref_squeeze %parallel_loop3A_684 : memref<1x1x100x64xf32, #tpu.memory_space<vmem>> -> memref<100x64xf32, #tpu.memory_space<vmem>>
        %parallel_loop3A_686 = arith.index_cast %parallel_loop3A_646 : i32 to index
        %parallel_loop3A_687 = arith.constant 48 : index
        %parallel_loop3A_688 = tpu.vector_load %parallel_loop3A_685[%parallel_loop3A_686, %parallel_loop3A_687] {strides = array<i32>} : memref<100x64xf32, #tpu.memory_space<vmem>>, vector<1x16xf32>,
        %parallel_loop3A_689 = vector.shape_cast %parallel_loop3A_688 : vector<1x16xf32> to vector<16xf32>
        %parallel_loop3A_690 = arith.maximumf %parallel_loop3A_650, %parallel_loop3A_689 : vector<16xf32>
        %parallel_loop3A_691 = arith.constant 0 : i32
        %parallel_loop3A_692 = arith.constant 0 : i32
        %parallel_loop3A_693 = tpu.memref_slice %arg6[%parallel_loop3A_381, %parallel_loop3A_382, %parallel_loop3A_691, %parallel_loop3A_692] : memref<4x2x100x64xf32, #tpu.memory_space<vmem>> -> memref<1x1x100x64xf32, #tpu.memory_space<vmem>>
        %parallel_loop3A_694 = tpu.memref_squeeze %parallel_loop3A_693 : memref<1x1x100x64xf32, #tpu.memory_space<vmem>> -> memref<100x64xf32, #tpu.memory_space<vmem>>
        %parallel_loop3A_695 = arith.index_cast %parallel_loop3A_646 : i32 to index
        %parallel_loop3A_696 = arith.constant 0 : index
        %parallel_loop3A_697 = tpu.vector_load %parallel_loop3A_694[%parallel_loop3A_695, %parallel_loop3A_696] {strides = array<i32>} : memref<100x64xf32, #tpu.memory_space<vmem>>, vector<1x16xf32>,
        %parallel_loop3A_698 = vector.shape_cast %parallel_loop3A_697 : vector<1x16xf32> to vector<16xf32>
        %parallel_loop3A_699 = arith.maximumf %parallel_loop3A_651, %parallel_loop3A_698 : vector<16xf32>
        %parallel_loop3A_700 = arith.constant 0 : i32
        %parallel_loop3A_701 = arith.constant 0 : i32
        %parallel_loop3A_702 = tpu.memref_slice %arg6[%parallel_loop3A_381, %parallel_loop3A_382, %parallel_loop3A_700, %parallel_loop3A_701] : memref<4x2x100x64xf32, #tpu.memory_space<vmem>> -> memref<1x1x100x64xf32, #tpu.memory_space<vmem>>
        %parallel_loop3A_703 = tpu.memref_squeeze %parallel_loop3A_702 : memref<1x1x100x64xf32, #tpu.memory_space<vmem>> -> memref<100x64xf32, #tpu.memory_space<vmem>>
        %parallel_loop3A_704 = arith.index_cast %parallel_loop3A_646 : i32 to index
        %parallel_loop3A_705 = arith.constant 16 : index
        %parallel_loop3A_706 = tpu.vector_load %parallel_loop3A_703[%parallel_loop3A_704, %parallel_loop3A_705] {strides = array<i32>} : memref<100x64xf32, #tpu.memory_space<vmem>>, vector<1x16xf32>,
        %parallel_loop3A_707 = vector.shape_cast %parallel_loop3A_706 : vector<1x16xf32> to vector<16xf32>
        %parallel_loop3A_708 = arith.maximumf %parallel_loop3A_652, %parallel_loop3A_707 : vector<16xf32>
        %parallel_loop3A_709 = arith.constant 0 : i32
        %parallel_loop3A_710 = arith.constant 0 : i32
        %parallel_loop3A_711 = tpu.memref_slice %arg6[%parallel_loop3A_381, %parallel_loop3A_382, %parallel_loop3A_709, %parallel_loop3A_710] : memref<4x2x100x64xf32, #tpu.memory_space<vmem>> -> memref<1x1x100x64xf32, #tpu.memory_space<vmem>>
        %parallel_loop3A_712 = tpu.memref_squeeze %parallel_loop3A_711 : memref<1x1x100x64xf32, #tpu.memory_space<vmem>> -> memref<100x64xf32, #tpu.memory_space<vmem>>
        %parallel_loop3A_713 = arith.index_cast %parallel_loop3A_646 : i32 to index
        %parallel_loop3A_714 = arith.constant 32 : index
        %parallel_loop3A_715 = tpu.vector_load %parallel_loop3A_712[%parallel_loop3A_713, %parallel_loop3A_714] {strides = array<i32>} : memref<100x64xf32, #tpu.memory_space<vmem>>, vector<1x16xf32>,
        %parallel_loop3A_716 = vector.shape_cast %parallel_loop3A_715 : vector<1x16xf32> to vector<16xf32>
        %parallel_loop3A_717 = arith.maximumf %parallel_loop3A_653, %parallel_loop3A_716 : vector<16xf32>
        %parallel_loop3A_718 = arith.constant 0 : i32
        %parallel_loop3A_719 = arith.constant 0 : i32
        %parallel_loop3A_720 = tpu.memref_slice %arg6[%parallel_loop3A_381, %parallel_loop3A_382, %parallel_loop3A_718, %parallel_loop3A_719] : memref<4x2x100x64xf32, #tpu.memory_space<vmem>> -> memref<1x1x100x64xf32, #tpu.memory_space<vmem>>
        %parallel_loop3A_721 = tpu.memref_squeeze %parallel_loop3A_720 : memref<1x1x100x64xf32, #tpu.memory_space<vmem>> -> memref<100x64xf32, #tpu.memory_space<vmem>>
        %parallel_loop3A_722 = arith.index_cast %parallel_loop3A_646 : i32 to index
        %parallel_loop3A_723 = arith.constant 48 : index
        %parallel_loop3A_724 = tpu.vector_load %parallel_loop3A_721[%parallel_loop3A_722, %parallel_loop3A_723] {strides = array<i32>} : memref<100x64xf32, #tpu.memory_space<vmem>>, vector<1x16xf32>,
        %parallel_loop3A_725 = vector.shape_cast %parallel_loop3A_724 : vector<1x16xf32> to vector<16xf32>
        %parallel_loop3A_726 = arith.maximumf %parallel_loop3A_654, %parallel_loop3A_725 : vector<16xf32>
        scf.yield %parallel_loop3A_663, %parallel_loop3A_672, %parallel_loop3A_681, %parallel_loop3A_690, %parallel_loop3A_699, %parallel_loop3A_708, %parallel_loop3A_717, %parallel_loop3A_726 : vector<16xf32>, vector<16xf32>, vector<16xf32>, vector<16xf32>, vector<16xf32>, vector<16xf32>, vector<16xf32>, vector<16xf32>
      } {sc.loop_unroll_factor = 4 : i64, sc.parallel_access}
      %max3A_384 = arith.maximumf %parallel_loop3A_383#0, %parallel_loop3A_383#4 : vector<16xf32>
      %max3A_385 = arith.maximumf %parallel_loop3A_383#1, %parallel_loop3A_383#5 : vector<16xf32>
      %max3A_386 = arith.maximumf %parallel_loop3A_383#2, %parallel_loop3A_383#6 : vector<16xf32>
      %max3A_387 = arith.maximumf %parallel_loop3A_383#3, %parallel_loop3A_383#7 : vector<16xf32>
      %swap3A_388 = arith.index_cast %add3A_343 : i32 to index
      %swap3A_389 = arith.constant 0 : index
      %swap3A_390 = tpu.vector_load %arg7[%swap3A_388, %swap3A_389] {strides = array<i32>} : memref<128x64xf32, #tpu.memory_space<vmem>>, vector<1x16xf32>,
      %swap3A_391 = vector.shape_cast %swap3A_390 : vector<1x16xf32> to vector<16xf32>
      %swap3A_392 = vector.shape_cast %max3A_384 : vector<16xf32> to vector<1x16xf32>
      tpu.vector_store %arg7[%swap3A_388, %swap3A_389], %swap3A_392 {strides = array<i32>} : memref<128x64xf32, #tpu.memory_space<vmem>>, vector<1x16xf32>,
      %swap3A_393 = arith.index_cast %add3A_343 : i32 to index
      %swap3A_394 = arith.constant 16 : index
      %swap3A_395 = tpu.vector_load %arg7[%swap3A_393, %swap3A_394] {strides = array<i32>} : memref<128x64xf32, #tpu.memory_space<vmem>>, vector<1x16xf32>,
      %swap3A_396 = vector.shape_cast %swap3A_395 : vector<1x16xf32> to vector<16xf32>
      %swap3A_397 = vector.shape_cast %max3A_385 : vector<16xf32> to vector<1x16xf32>
      tpu.vector_store %arg7[%swap3A_393, %swap3A_394], %swap3A_397 {strides = array<i32>} : memref<128x64xf32, #tpu.memory_space<vmem>>, vector<1x16xf32>,
      %swap3A_398 = arith.index_cast %add3A_343 : i32 to index
      %swap3A_399 = arith.constant 32 : index
      %swap3A_400 = tpu.vector_load %arg7[%swap3A_398, %swap3A_399] {strides = array<i32>} : memref<128x64xf32, #tpu.memory_space<vmem>>, vector<1x16xf32>,
      %swap3A_401 = vector.shape_cast %swap3A_400 : vector<1x16xf32> to vector<16xf32>
      %swap3A_402 = vector.shape_cast %max3A_386 : vector<16xf32> to vector<1x16xf32>
      tpu.vector_store %arg7[%swap3A_398, %swap3A_399], %swap3A_402 {strides = array<i32>} : memref<128x64xf32, #tpu.memory_space<vmem>>, vector<1x16xf32>,
      %swap3A_403 = arith.index_cast %add3A_343 : i32 to index
      %swap3A_404 = arith.constant 48 : index
      %swap3A_405 = tpu.vector_load %arg7[%swap3A_403, %swap3A_404] {strides = array<i32>} : memref<128x64xf32, #tpu.memory_space<vmem>>, vector<1x16xf32>,
      %swap3A_406 = vector.shape_cast %swap3A_405 : vector<1x16xf32> to vector<16xf32>
      %swap3A_407 = vector.shape_cast %max3A_387 : vector<16xf32> to vector<1x16xf32>
      tpu.vector_store %arg7[%swap3A_403, %swap3A_404], %swap3A_407 {strides = array<i32>} : memref<128x64xf32, #tpu.memory_space<vmem>>, vector<1x16xf32>,
      %add3A_408 = arith.constant 4 : i32
      %add3A_409 = arith.addi %add3A_343, %add3A_408 : i32
      %rem3A_410 = arith.constant 128 : i32
      %rem3A_411 = arith.remsi %add3A_409, %rem3A_410 : i32
      %mul3A_412 = arith.constant 2 : i32
      %mul3A_413 = arith.muli %mul3A_412, %rem3A_411 : i32
      %dma_start3A_414 = arith.constant 1 : i32
      %dma_start3A_415 = arith.constant 0 : i32
      %dma_start3A_416 = arith.constant 0 : i32
      %dma_start3A_417 = arith.constant 0 : i32
      %dma_start3A_418 = tpu.memref_slice %arg6[%dma_start3A_414, %dma_start3A_415, %dma_start3A_416, %dma_start3A_417] : memref<4x2x100x64xf32, #tpu.memory_space<vmem>> -> memref<1x1x100x64xf32, #tpu.memory_space<vmem>>
      %dma_start3A_419 = tpu.memref_squeeze %dma_start3A_418 : memref<1x1x100x64xf32, #tpu.memory_space<vmem>> -> memref<100x64xf32, #tpu.memory_space<vmem>>
      %dma_start3A_420 = arith.constant 0 : i32
      %dma_start3A_421 = tpu.memref_slice %arg5[%mul3A_413, %dma_start3A_420] : memref<256x100xi32, #tpu.memory_space<vmem>> -> memref<1x100xi32, #tpu.memory_space<vmem>>
      %dma_start3A_422 = tpu.memref_squeeze %dma_start3A_421 : memref<1x100xi32, #tpu.memory_space<vmem>> -> memref<100xi32, #tpu.memory_space<vmem>>
      %dma_start3A_423 = arith.constant 0 : i32
      %dma_start3A_424 = arith.constant 0 : i32
      %dma_start3A_425 = tpu.memref_slice %arg3[%dma_start3A_423, %dma_start3A_424] : memref<1000000x64xf32, #tpu.memory_space<hbm>> -> memref<1000000x64xf32, #tpu.memory_space<hbm>>
      tpu.enqueue_indirect_dma source(%dma_start3A_425 : memref<1000000x64xf32, #tpu.memory_space<hbm>>) target(%dma_start3A_419 : memref<100x64xf32, #tpu.memory_space<vmem>>) offsets(%dma_start3A_422 : memref<100xi32, #tpu.memory_space<vmem>>) semaphore(%arg9 : memref<!tpu.dma_semaphore, #tpu.memory_space<semaphore_mem>>)
      %mul3A_426 = arith.constant 2 : i32
      %mul3A_427 = arith.muli %mul3A_426, %rem3A_411 : i32
      %add3A_428 = arith.constant 1 : i32
      %add3A_429 = arith.addi %mul3A_427, %add3A_428 : i32
      %dma_start3A_430 = arith.constant 1 : i32
      %dma_start3A_431 = arith.constant 1 : i32
      %dma_start3A_432 = arith.constant 0 : i32
      %dma_start3A_433 = arith.constant 0 : i32
      %dma_start3A_434 = tpu.memref_slice %arg6[%dma_start3A_430, %dma_start3A_431, %dma_start3A_432, %dma_start3A_433] : memref<4x2x100x64xf32, #tpu.memory_space<vmem>> -> memref<1x1x100x64xf32, #tpu.memory_space<vmem>>
      %dma_start3A_435 = tpu.memref_squeeze %dma_start3A_434 : memref<1x1x100x64xf32, #tpu.memory_space<vmem>> -> memref<100x64xf32, #tpu.memory_space<vmem>>
      %dma_start3A_436 = arith.constant 0 : i32
      %dma_start3A_437 = tpu.memref_slice %arg5[%add3A_429, %dma_start3A_436] : memref<256x100xi32, #tpu.memory_space<vmem>> -> memref<1x100xi32, #tpu.memory_space<vmem>>
      %dma_start3A_438 = tpu.memref_squeeze %dma_start3A_437 : memref<1x100xi32, #tpu.memory_space<vmem>> -> memref<100xi32, #tpu.memory_space<vmem>>
      %dma_start3A_439 = arith.constant 0 : i32
      %dma_start3A_440 = arith.constant 0 : i32
      %dma_start3A_441 = tpu.memref_slice %arg3[%dma_start3A_439, %dma_start3A_440] : memref<1000000x64xf32, #tpu.memory_space<hbm>> -> memref<1000000x64xf32, #tpu.memory_space<hbm>>
      tpu.enqueue_indirect_dma source(%dma_start3A_441 : memref<1000000x64xf32, #tpu.memory_space<hbm>>) target(%dma_start3A_435 : memref<100x64xf32, #tpu.memory_space<vmem>>) offsets(%dma_start3A_438 : memref<100xi32, #tpu.memory_space<vmem>>) semaphore(%arg9 : memref<!tpu.dma_semaphore, #tpu.memory_space<semaphore_mem>>)
      %mul3A_442 = arith.constant 4 : i32
      %mul3A_443 = arith.muli %mul3A_442, %scan3A_241 : i32
      %add3A_444 = arith.constant 2 : i32
      %add3A_445 = arith.addi %mul3A_443, %add3A_444 : i32
      %dma_wait3A_446 = arith.constant 2 : i32
      %dma_wait3A_447 = arith.constant 0 : i32
      %dma_wait3A_448 = arith.constant 0 : i32
      %dma_wait3A_449 = arith.constant 0 : i32
      %dma_wait3A_450 = tpu.memref_slice %arg6[%dma_wait3A_446, %dma_wait3A_447, %dma_wait3A_448, %dma_wait3A_449] : memref<4x2x100x64xf32, #tpu.memory_space<vmem>> -> memref<1x1x100x64xf32, #tpu.memory_space<vmem>>
      %dma_wait3A_451 = tpu.memref_squeeze %dma_wait3A_450 : memref<1x1x100x64xf32, #tpu.memory_space<vmem>> -> memref<100x64xf32, #tpu.memory_space<vmem>>
      %dma_wait3A_452 = arith.constant 0 : i32
      %dma_wait3A_453 = arith.constant 0 : i32
      %dma_wait3A_454 = tpu.memref_slice %arg3[%dma_wait3A_452, %dma_wait3A_453] : memref<1000000x64xf32, #tpu.memory_space<hbm>> -> memref<100x64xf32, #tpu.memory_space<hbm>>
      %dma_wait3A_455 = arith.constant 0 : i32
      %dma_wait3A_456 = arith.constant 0 : i32
      %dma_wait3A_457 = tpu.memref_slice %arg6[%dma_wait3A_446, %dma_wait3A_447, %dma_wait3A_455, %dma_wait3A_456] : memref<4x2x100x64xf32, #tpu.memory_space<vmem>> -> memref<1x1x100x64xf32, #tpu.memory_space<vmem>>
      %dma_wait3A_458 = tpu.memref_squeeze %dma_wait3A_457 : memref<1x1x100x64xf32, #tpu.memory_space<vmem>> -> memref<100x64xf32, #tpu.memory_space<vmem>>
      %dma_wait3A_459 = arith.constant 0 : i32
      %dma_wait3A_460 = arith.constant 0 : i32
      %dma_wait3A_461 = tpu.memref_slice %arg3[%dma_wait3A_459, %dma_wait3A_460] : memref<1000000x64xf32, #tpu.memory_space<hbm>> -> memref<100x64xf32, #tpu.memory_space<hbm>>
      tpu.wait_dma2 semaphore(%arg10 : memref<!tpu.dma_semaphore, #tpu.memory_space<semaphore_mem>>) src(%dma_wait3A_461 : memref<100x64xf32, #tpu.memory_space<hbm>>) dst(%dma_wait3A_458 : memref<100x64xf32, #tpu.memory_space<vmem>>)
      %dma_wait3A_462 = arith.constant 2 : i32
      %dma_wait3A_463 = arith.constant 1 : i32
      %dma_wait3A_464 = arith.constant 0 : i32
      %dma_wait3A_465 = arith.constant 0 : i32
      %dma_wait3A_466 = tpu.memref_slice %arg6[%dma_wait3A_462, %dma_wait3A_463, %dma_wait3A_464, %dma_wait3A_465] : memref<4x2x100x64xf32, #tpu.memory_space<vmem>> -> memref<1x1x100x64xf32, #tpu.memory_space<vmem>>
      %dma_wait3A_467 = tpu.memref_squeeze %dma_wait3A_466 : memref<1x1x100x64xf32, #tpu.memory_space<vmem>> -> memref<100x64xf32, #tpu.memory_space<vmem>>
      %dma_wait3A_468 = arith.constant 0 : i32
      %dma_wait3A_469 = arith.constant 0 : i32
      %dma_wait3A_470 = tpu.memref_slice %arg3[%dma_wait3A_468, %dma_wait3A_469] : memref<1000000x64xf32, #tpu.memory_space<hbm>> -> memref<100x64xf32, #tpu.memory_space<hbm>>
      %dma_wait3A_471 = arith.constant 0 : i32
      %dma_wait3A_472 = arith.constant 0 : i32
      %dma_wait3A_473 = tpu.memref_slice %arg6[%dma_wait3A_462, %dma_wait3A_463, %dma_wait3A_471, %dma_wait3A_472] : memref<4x2x100x64xf32, #tpu.memory_space<vmem>> -> memref<1x1x100x64xf32, #tpu.memory_space<vmem>>
      %dma_wait3A_474 = tpu.memref_squeeze %dma_wait3A_473 : memref<1x1x100x64xf32, #tpu.memory_space<vmem>> -> memref<100x64xf32, #tpu.memory_space<vmem>>
      %dma_wait3A_475 = arith.constant 0 : i32
      %dma_wait3A_476 = arith.constant 0 : i32
      %dma_wait3A_477 = tpu.memref_slice %arg3[%dma_wait3A_475, %dma_wait3A_476] : memref<1000000x64xf32, #tpu.memory_space<hbm>> -> memref<100x64xf32, #tpu.memory_space<hbm>>
      tpu.wait_dma2 semaphore(%arg10 : memref<!tpu.dma_semaphore, #tpu.memory_space<semaphore_mem>>) src(%dma_wait3A_477 : memref<100x64xf32, #tpu.memory_space<hbm>>) dst(%dma_wait3A_474 : memref<100x64xf32, #tpu.memory_space<vmem>>)
      %parallel_loop3A_478 = arith.constant 0 : i32
      %parallel_loop3A_479 = arith.constant 100 : i32
      %parallel_loop3A_480 = arith.constant 1 : i32
      %parallel_loop3A_481 = arith.constant 2 : i32
      %parallel_loop3A_482 = arith.constant 0 : i32
      %parallel_loop3A_483 = arith.constant 2 : i32
      %parallel_loop3A_484 = arith.constant 1 : i32
      %parallel_loop3A_485:8 = scf.for %parallel_loop3A_646 = %parallel_loop3A_478 to %parallel_loop3A_479 step %parallel_loop3A_480 iter_args(%parallel_loop3A_647 = %broadcast_in_dim3A_3, %parallel_loop3A_648 = %broadcast_in_dim3A_3, %parallel_loop3A_649 = %broadcast_in_dim3A_3, %parallel_loop3A_650 = %broadcast_in_dim3A_3, %parallel_loop3A_651 = %broadcast_in_dim3A_3, %parallel_loop3A_652 = %broadcast_in_dim3A_3, %parallel_loop3A_653 = %broadcast_in_dim3A_3, %parallel_loop3A_654 = %broadcast_in_dim3A_3) -> (vector<16xf32>, vector<16xf32>, vector<16xf32>, vector<16xf32>, vector<16xf32>, vector<16xf32>, vector<16xf32>, vector<16xf32>)  : i32 {
        %parallel_loop3A_655 = arith.constant 0 : i32
        %parallel_loop3A_656 = arith.constant 0 : i32
        %parallel_loop3A_657 = tpu.memref_slice %arg6[%parallel_loop3A_481, %parallel_loop3A_482, %parallel_loop3A_655, %parallel_loop3A_656] : memref<4x2x100x64xf32, #tpu.memory_space<vmem>> -> memref<1x1x100x64xf32, #tpu.memory_space<vmem>>
        %parallel_loop3A_658 = tpu.memref_squeeze %parallel_loop3A_657 : memref<1x1x100x64xf32, #tpu.memory_space<vmem>> -> memref<100x64xf32, #tpu.memory_space<vmem>>
        %parallel_loop3A_659 = arith.index_cast %parallel_loop3A_646 : i32 to index
        %parallel_loop3A_660 = arith.constant 0 : index
        %parallel_loop3A_661 = tpu.vector_load %parallel_loop3A_658[%parallel_loop3A_659, %parallel_loop3A_660] {strides = array<i32>} : memref<100x64xf32, #tpu.memory_space<vmem>>, vector<1x16xf32>,
        %parallel_loop3A_662 = vector.shape_cast %parallel_loop3A_661 : vector<1x16xf32> to vector<16xf32>
        %parallel_loop3A_663 = arith.maximumf %parallel_loop3A_647, %parallel_loop3A_662 : vector<16xf32>
        %parallel_loop3A_664 = arith.constant 0 : i32
        %parallel_loop3A_665 = arith.constant 0 : i32
        %parallel_loop3A_666 = tpu.memref_slice %arg6[%parallel_loop3A_481, %parallel_loop3A_482, %parallel_loop3A_664, %parallel_loop3A_665] : memref<4x2x100x64xf32, #tpu.memory_space<vmem>> -> memref<1x1x100x64xf32, #tpu.memory_space<vmem>>
        %parallel_loop3A_667 = tpu.memref_squeeze %parallel_loop3A_666 : memref<1x1x100x64xf32, #tpu.memory_space<vmem>> -> memref<100x64xf32, #tpu.memory_space<vmem>>
        %parallel_loop3A_668 = arith.index_cast %parallel_loop3A_646 : i32 to index
        %parallel_loop3A_669 = arith.constant 16 : index
        %parallel_loop3A_670 = tpu.vector_load %parallel_loop3A_667[%parallel_loop3A_668, %parallel_loop3A_669] {strides = array<i32>} : memref<100x64xf32, #tpu.memory_space<vmem>>, vector<1x16xf32>,
        %parallel_loop3A_671 = vector.shape_cast %parallel_loop3A_670 : vector<1x16xf32> to vector<16xf32>
        %parallel_loop3A_672 = arith.maximumf %parallel_loop3A_648, %parallel_loop3A_671 : vector<16xf32>
        %parallel_loop3A_673 = arith.constant 0 : i32
        %parallel_loop3A_674 = arith.constant 0 : i32
        %parallel_loop3A_675 = tpu.memref_slice %arg6[%parallel_loop3A_481, %parallel_loop3A_482, %parallel_loop3A_673, %parallel_loop3A_674] : memref<4x2x100x64xf32, #tpu.memory_space<vmem>> -> memref<1x1x100x64xf32, #tpu.memory_space<vmem>>
        %parallel_loop3A_676 = tpu.memref_squeeze %parallel_loop3A_675 : memref<1x1x100x64xf32, #tpu.memory_space<vmem>> -> memref<100x64xf32, #tpu.memory_space<vmem>>
        %parallel_loop3A_677 = arith.index_cast %parallel_loop3A_646 : i32 to index
        %parallel_loop3A_678 = arith.constant 32 : index
        %parallel_loop3A_679 = tpu.vector_load %parallel_loop3A_676[%parallel_loop3A_677, %parallel_loop3A_678] {strides = array<i32>} : memref<100x64xf32, #tpu.memory_space<vmem>>, vector<1x16xf32>,
        %parallel_loop3A_680 = vector.shape_cast %parallel_loop3A_679 : vector<1x16xf32> to vector<16xf32>
        %parallel_loop3A_681 = arith.maximumf %parallel_loop3A_649, %parallel_loop3A_680 : vector<16xf32>
        %parallel_loop3A_682 = arith.constant 0 : i32
        %parallel_loop3A_683 = arith.constant 0 : i32
        %parallel_loop3A_684 = tpu.memref_slice %arg6[%parallel_loop3A_481, %parallel_loop3A_482, %parallel_loop3A_682, %parallel_loop3A_683] : memref<4x2x100x64xf32, #tpu.memory_space<vmem>> -> memref<1x1x100x64xf32, #tpu.memory_space<vmem>>
        %parallel_loop3A_685 = tpu.memref_squeeze %parallel_loop3A_684 : memref<1x1x100x64xf32, #tpu.memory_space<vmem>> -> memref<100x64xf32, #tpu.memory_space<vmem>>
        %parallel_loop3A_686 = arith.index_cast %parallel_loop3A_646 : i32 to index
        %parallel_loop3A_687 = arith.constant 48 : index
        %parallel_loop3A_688 = tpu.vector_load %parallel_loop3A_685[%parallel_loop3A_686, %parallel_loop3A_687] {strides = array<i32>} : memref<100x64xf32, #tpu.memory_space<vmem>>, vector<1x16xf32>,
        %parallel_loop3A_689 = vector.shape_cast %parallel_loop3A_688 : vector<1x16xf32> to vector<16xf32>
        %parallel_loop3A_690 = arith.maximumf %parallel_loop3A_650, %parallel_loop3A_689 : vector<16xf32>
        %parallel_loop3A_691 = arith.constant 0 : i32
        %parallel_loop3A_692 = arith.constant 0 : i32
        %parallel_loop3A_693 = tpu.memref_slice %arg6[%parallel_loop3A_483, %parallel_loop3A_484, %parallel_loop3A_691, %parallel_loop3A_692] : memref<4x2x100x64xf32, #tpu.memory_space<vmem>> -> memref<1x1x100x64xf32, #tpu.memory_space<vmem>>
        %parallel_loop3A_694 = tpu.memref_squeeze %parallel_loop3A_693 : memref<1x1x100x64xf32, #tpu.memory_space<vmem>> -> memref<100x64xf32, #tpu.memory_space<vmem>>
        %parallel_loop3A_695 = arith.index_cast %parallel_loop3A_646 : i32 to index
        %parallel_loop3A_696 = arith.constant 0 : index
        %parallel_loop3A_697 = tpu.vector_load %parallel_loop3A_694[%parallel_loop3A_695, %parallel_loop3A_696] {strides = array<i32>} : memref<100x64xf32, #tpu.memory_space<vmem>>, vector<1x16xf32>,
        %parallel_loop3A_698 = vector.shape_cast %parallel_loop3A_697 : vector<1x16xf32> to vector<16xf32>
        %parallel_loop3A_699 = arith.maximumf %parallel_loop3A_651, %parallel_loop3A_698 : vector<16xf32>
        %parallel_loop3A_700 = arith.constant 0 : i32
        %parallel_loop3A_701 = arith.constant 0 : i32
        %parallel_loop3A_702 = tpu.memref_slice %arg6[%parallel_loop3A_483, %parallel_loop3A_484, %parallel_loop3A_700, %parallel_loop3A_701] : memref<4x2x100x64xf32, #tpu.memory_space<vmem>> -> memref<1x1x100x64xf32, #tpu.memory_space<vmem>>
        %parallel_loop3A_703 = tpu.memref_squeeze %parallel_loop3A_702 : memref<1x1x100x64xf32, #tpu.memory_space<vmem>> -> memref<100x64xf32, #tpu.memory_space<vmem>>
        %parallel_loop3A_704 = arith.index_cast %parallel_loop3A_646 : i32 to index
        %parallel_loop3A_705 = arith.constant 16 : index
        %parallel_loop3A_706 = tpu.vector_load %parallel_loop3A_703[%parallel_loop3A_704, %parallel_loop3A_705] {strides = array<i32>} : memref<100x64xf32, #tpu.memory_space<vmem>>, vector<1x16xf32>,
        %parallel_loop3A_707 = vector.shape_cast %parallel_loop3A_706 : vector<1x16xf32> to vector<16xf32>
        %parallel_loop3A_708 = arith.maximumf %parallel_loop3A_652, %parallel_loop3A_707 : vector<16xf32>
        %parallel_loop3A_709 = arith.constant 0 : i32
        %parallel_loop3A_710 = arith.constant 0 : i32
        %parallel_loop3A_711 = tpu.memref_slice %arg6[%parallel_loop3A_483, %parallel_loop3A_484, %parallel_loop3A_709, %parallel_loop3A_710] : memref<4x2x100x64xf32, #tpu.memory_space<vmem>> -> memref<1x1x100x64xf32, #tpu.memory_space<vmem>>
        %parallel_loop3A_712 = tpu.memref_squeeze %parallel_loop3A_711 : memref<1x1x100x64xf32, #tpu.memory_space<vmem>> -> memref<100x64xf32, #tpu.memory_space<vmem>>
        %parallel_loop3A_713 = arith.index_cast %parallel_loop3A_646 : i32 to index
        %parallel_loop3A_714 = arith.constant 32 : index
        %parallel_loop3A_715 = tpu.vector_load %parallel_loop3A_712[%parallel_loop3A_713, %parallel_loop3A_714] {strides = array<i32>} : memref<100x64xf32, #tpu.memory_space<vmem>>, vector<1x16xf32>,
        %parallel_loop3A_716 = vector.shape_cast %parallel_loop3A_715 : vector<1x16xf32> to vector<16xf32>
        %parallel_loop3A_717 = arith.maximumf %parallel_loop3A_653, %parallel_loop3A_716 : vector<16xf32>
        %parallel_loop3A_718 = arith.constant 0 : i32
        %parallel_loop3A_719 = arith.constant 0 : i32
        %parallel_loop3A_720 = tpu.memref_slice %arg6[%parallel_loop3A_483, %parallel_loop3A_484, %parallel_loop3A_718, %parallel_loop3A_719] : memref<4x2x100x64xf32, #tpu.memory_space<vmem>> -> memref<1x1x100x64xf32, #tpu.memory_space<vmem>>
        %parallel_loop3A_721 = tpu.memref_squeeze %parallel_loop3A_720 : memref<1x1x100x64xf32, #tpu.memory_space<vmem>> -> memref<100x64xf32, #tpu.memory_space<vmem>>
        %parallel_loop3A_722 = arith.index_cast %parallel_loop3A_646 : i32 to index
        %parallel_loop3A_723 = arith.constant 48 : index
        %parallel_loop3A_724 = tpu.vector_load %parallel_loop3A_721[%parallel_loop3A_722, %parallel_loop3A_723] {strides = array<i32>} : memref<100x64xf32, #tpu.memory_space<vmem>>, vector<1x16xf32>,
        %parallel_loop3A_725 = vector.shape_cast %parallel_loop3A_724 : vector<1x16xf32> to vector<16xf32>
        %parallel_loop3A_726 = arith.maximumf %parallel_loop3A_654, %parallel_loop3A_725 : vector<16xf32>
        scf.yield %parallel_loop3A_663, %parallel_loop3A_672, %parallel_loop3A_681, %parallel_loop3A_690, %parallel_loop3A_699, %parallel_loop3A_708, %parallel_loop3A_717, %parallel_loop3A_726 : vector<16xf32>, vector<16xf32>, vector<16xf32>, vector<16xf32>, vector<16xf32>, vector<16xf32>, vector<16xf32>, vector<16xf32>
      } {sc.loop_unroll_factor = 4 : i64, sc.parallel_access}
      %max3A_486 = arith.maximumf %parallel_loop3A_485#0, %parallel_loop3A_485#4 : vector<16xf32>
      %max3A_487 = arith.maximumf %parallel_loop3A_485#1, %parallel_loop3A_485#5 : vector<16xf32>
      %max3A_488 = arith.maximumf %parallel_loop3A_485#2, %parallel_loop3A_485#6 : vector<16xf32>
      %max3A_489 = arith.maximumf %parallel_loop3A_485#3, %parallel_loop3A_485#7 : vector<16xf32>
      %swap3A_490 = arith.index_cast %add3A_445 : i32 to index
      %swap3A_491 = arith.constant 0 : index
      %swap3A_492 = tpu.vector_load %arg7[%swap3A_490, %swap3A_491] {strides = array<i32>} : memref<128x64xf32, #tpu.memory_space<vmem>>, vector<1x16xf32>,
      %swap3A_493 = vector.shape_cast %swap3A_492 : vector<1x16xf32> to vector<16xf32>
      %swap3A_494 = vector.shape_cast %max3A_486 : vector<16xf32> to vector<1x16xf32>
      tpu.vector_store %arg7[%swap3A_490, %swap3A_491], %swap3A_494 {strides = array<i32>} : memref<128x64xf32, #tpu.memory_space<vmem>>, vector<1x16xf32>,
      %swap3A_495 = arith.index_cast %add3A_445 : i32 to index
      %swap3A_496 = arith.constant 16 : index
      %swap3A_497 = tpu.vector_load %arg7[%swap3A_495, %swap3A_496] {strides = array<i32>} : memref<128x64xf32, #tpu.memory_space<vmem>>, vector<1x16xf32>,
      %swap3A_498 = vector.shape_cast %swap3A_497 : vector<1x16xf32> to vector<16xf32>
      %swap3A_499 = vector.shape_cast %max3A_487 : vector<16xf32> to vector<1x16xf32>
      tpu.vector_store %arg7[%swap3A_495, %swap3A_496], %swap3A_499 {strides = array<i32>} : memref<128x64xf32, #tpu.memory_space<vmem>>, vector<1x16xf32>,
      %swap3A_500 = arith.index_cast %add3A_445 : i32 to index
      %swap3A_501 = arith.constant 32 : index
      %swap3A_502 = tpu.vector_load %arg7[%swap3A_500, %swap3A_501] {strides = array<i32>} : memref<128x64xf32, #tpu.memory_space<vmem>>, vector<1x16xf32>,
      %swap3A_503 = vector.shape_cast %swap3A_502 : vector<1x16xf32> to vector<16xf32>
      %swap3A_504 = vector.shape_cast %max3A_488 : vector<16xf32> to vector<1x16xf32>
      tpu.vector_store %arg7[%swap3A_500, %swap3A_501], %swap3A_504 {strides = array<i32>} : memref<128x64xf32, #tpu.memory_space<vmem>>, vector<1x16xf32>,
      %swap3A_505 = arith.index_cast %add3A_445 : i32 to index
      %swap3A_506 = arith.constant 48 : index
      %swap3A_507 = tpu.vector_load %arg7[%swap3A_505, %swap3A_506] {strides = array<i32>} : memref<128x64xf32, #tpu.memory_space<vmem>>, vector<1x16xf32>,
      %swap3A_508 = vector.shape_cast %swap3A_507 : vector<1x16xf32> to vector<16xf32>
      %swap3A_509 = vector.shape_cast %max3A_489 : vector<16xf32> to vector<1x16xf32>
      tpu.vector_store %arg7[%swap3A_505, %swap3A_506], %swap3A_509 {strides = array<i32>} : memref<128x64xf32, #tpu.memory_space<vmem>>, vector<1x16xf32>,
      %add3A_510 = arith.constant 4 : i32
      %add3A_511 = arith.addi %add3A_445, %add3A_510 : i32
      %rem3A_512 = arith.constant 128 : i32
      %rem3A_513 = arith.remsi %add3A_511, %rem3A_512 : i32
      %mul3A_514 = arith.constant 2 : i32
      %mul3A_515 = arith.muli %mul3A_514, %rem3A_513 : i32
      %dma_start3A_516 = arith.constant 2 : i32
      %dma_start3A_517 = arith.constant 0 : i32
      %dma_start3A_518 = arith.constant 0 : i32
      %dma_start3A_519 = arith.constant 0 : i32
      %dma_start3A_520 = tpu.memref_slice %arg6[%dma_start3A_516, %dma_start3A_517, %dma_start3A_518, %dma_start3A_519] : memref<4x2x100x64xf32, #tpu.memory_space<vmem>> -> memref<1x1x100x64xf32, #tpu.memory_space<vmem>>
      %dma_start3A_521 = tpu.memref_squeeze %dma_start3A_520 : memref<1x1x100x64xf32, #tpu.memory_space<vmem>> -> memref<100x64xf32, #tpu.memory_space<vmem>>
      %dma_start3A_522 = arith.constant 0 : i32
      %dma_start3A_523 = tpu.memref_slice %arg5[%mul3A_515, %dma_start3A_522] : memref<256x100xi32, #tpu.memory_space<vmem>> -> memref<1x100xi32, #tpu.memory_space<vmem>>
      %dma_start3A_524 = tpu.memref_squeeze %dma_start3A_523 : memref<1x100xi32, #tpu.memory_space<vmem>> -> memref<100xi32, #tpu.memory_space<vmem>>
      %dma_start3A_525 = arith.constant 0 : i32
      %dma_start3A_526 = arith.constant 0 : i32
      %dma_start3A_527 = tpu.memref_slice %arg3[%dma_start3A_525, %dma_start3A_526] : memref<1000000x64xf32, #tpu.memory_space<hbm>> -> memref<1000000x64xf32, #tpu.memory_space<hbm>>
      tpu.enqueue_indirect_dma source(%dma_start3A_527 : memref<1000000x64xf32, #tpu.memory_space<hbm>>) target(%dma_start3A_521 : memref<100x64xf32, #tpu.memory_space<vmem>>) offsets(%dma_start3A_524 : memref<100xi32, #tpu.memory_space<vmem>>) semaphore(%arg10 : memref<!tpu.dma_semaphore, #tpu.memory_space<semaphore_mem>>)
      %mul3A_528 = arith.constant 2 : i32
      %mul3A_529 = arith.muli %mul3A_528, %rem3A_513 : i32
      %add3A_530 = arith.constant 1 : i32
      %add3A_531 = arith.addi %mul3A_529, %add3A_530 : i32
      %dma_start3A_532 = arith.constant 2 : i32
      %dma_start3A_533 = arith.constant 1 : i32
      %dma_start3A_534 = arith.constant 0 : i32
      %dma_start3A_535 = arith.constant 0 : i32
      %dma_start3A_536 = tpu.memref_slice %arg6[%dma_start3A_532, %dma_start3A_533, %dma_start3A_534, %dma_start3A_535] : memref<4x2x100x64xf32, #tpu.memory_space<vmem>> -> memref<1x1x100x64xf32, #tpu.memory_space<vmem>>
      %dma_start3A_537 = tpu.memref_squeeze %dma_start3A_536 : memref<1x1x100x64xf32, #tpu.memory_space<vmem>> -> memref<100x64xf32, #tpu.memory_space<vmem>>
      %dma_start3A_538 = arith.constant 0 : i32
      %dma_start3A_539 = tpu.memref_slice %arg5[%add3A_531, %dma_start3A_538] : memref<256x100xi32, #tpu.memory_space<vmem>> -> memref<1x100xi32, #tpu.memory_space<vmem>>
      %dma_start3A_540 = tpu.memref_squeeze %dma_start3A_539 : memref<1x100xi32, #tpu.memory_space<vmem>> -> memref<100xi32, #tpu.memory_space<vmem>>
      %dma_start3A_541 = arith.constant 0 : i32
      %dma_start3A_542 = arith.constant 0 : i32
      %dma_start3A_543 = tpu.memref_slice %arg3[%dma_start3A_541, %dma_start3A_542] : memref<1000000x64xf32, #tpu.memory_space<hbm>> -> memref<1000000x64xf32, #tpu.memory_space<hbm>>
      tpu.enqueue_indirect_dma source(%dma_start3A_543 : memref<1000000x64xf32, #tpu.memory_space<hbm>>) target(%dma_start3A_537 : memref<100x64xf32, #tpu.memory_space<vmem>>) offsets(%dma_start3A_540 : memref<100xi32, #tpu.memory_space<vmem>>) semaphore(%arg10 : memref<!tpu.dma_semaphore, #tpu.memory_space<semaphore_mem>>)
      %mul3A_544 = arith.constant 4 : i32
      %mul3A_545 = arith.muli %mul3A_544, %scan3A_241 : i32
      %add3A_546 = arith.constant 3 : i32
      %add3A_547 = arith.addi %mul3A_545, %add3A_546 : i32
      %dma_wait3A_548 = arith.constant 3 : i32
      %dma_wait3A_549 = arith.constant 0 : i32
      %dma_wait3A_550 = arith.constant 0 : i32
      %dma_wait3A_551 = arith.constant 0 : i32
      %dma_wait3A_552 = tpu.memref_slice %arg6[%dma_wait3A_548, %dma_wait3A_549, %dma_wait3A_550, %dma_wait3A_551] : memref<4x2x100x64xf32, #tpu.memory_space<vmem>> -> memref<1x1x100x64xf32, #tpu.memory_space<vmem>>
      %dma_wait3A_553 = tpu.memref_squeeze %dma_wait3A_552 : memref<1x1x100x64xf32, #tpu.memory_space<vmem>> -> memref<100x64xf32, #tpu.memory_space<vmem>>
      %dma_wait3A_554 = arith.constant 0 : i32
      %dma_wait3A_555 = arith.constant 0 : i32
      %dma_wait3A_556 = tpu.memref_slice %arg3[%dma_wait3A_554, %dma_wait3A_555] : memref<1000000x64xf32, #tpu.memory_space<hbm>> -> memref<100x64xf32, #tpu.memory_space<hbm>>
      %dma_wait3A_557 = arith.constant 0 : i32
      %dma_wait3A_558 = arith.constant 0 : i32
      %dma_wait3A_559 = tpu.memref_slice %arg6[%dma_wait3A_548, %dma_wait3A_549, %dma_wait3A_557, %dma_wait3A_558] : memref<4x2x100x64xf32, #tpu.memory_space<vmem>> -> memref<1x1x100x64xf32, #tpu.memory_space<vmem>>
      %dma_wait3A_560 = tpu.memref_squeeze %dma_wait3A_559 : memref<1x1x100x64xf32, #tpu.memory_space<vmem>> -> memref<100x64xf32, #tpu.memory_space<vmem>>
      %dma_wait3A_561 = arith.constant 0 : i32
      %dma_wait3A_562 = arith.constant 0 : i32
      %dma_wait3A_563 = tpu.memref_slice %arg3[%dma_wait3A_561, %dma_wait3A_562] : memref<1000000x64xf32, #tpu.memory_space<hbm>> -> memref<100x64xf32, #tpu.memory_space<hbm>>
      tpu.wait_dma2 semaphore(%arg11 : memref<!tpu.dma_semaphore, #tpu.memory_space<semaphore_mem>>) src(%dma_wait3A_563 : memref<100x64xf32, #tpu.memory_space<hbm>>) dst(%dma_wait3A_560 : memref<100x64xf32, #tpu.memory_space<vmem>>)
      %dma_wait3A_564 = arith.constant 3 : i32
      %dma_wait3A_565 = arith.constant 1 : i32
      %dma_wait3A_566 = arith.constant 0 : i32
      %dma_wait3A_567 = arith.constant 0 : i32
      %dma_wait3A_568 = tpu.memref_slice %arg6[%dma_wait3A_564, %dma_wait3A_565, %dma_wait3A_566, %dma_wait3A_567] : memref<4x2x100x64xf32, #tpu.memory_space<vmem>> -> memref<1x1x100x64xf32, #tpu.memory_space<vmem>>
      %dma_wait3A_569 = tpu.memref_squeeze %dma_wait3A_568 : memref<1x1x100x64xf32, #tpu.memory_space<vmem>> -> memref<100x64xf32, #tpu.memory_space<vmem>>
      %dma_wait3A_570 = arith.constant 0 : i32
      %dma_wait3A_571 = arith.constant 0 : i32
      %dma_wait3A_572 = tpu.memref_slice %arg3[%dma_wait3A_570, %dma_wait3A_571] : memref<1000000x64xf32, #tpu.memory_space<hbm>> -> memref<100x64xf32, #tpu.memory_space<hbm>>
      %dma_wait3A_573 = arith.constant 0 : i32
      %dma_wait3A_574 = arith.constant 0 : i32
      %dma_wait3A_575 = tpu.memref_slice %arg6[%dma_wait3A_564, %dma_wait3A_565, %dma_wait3A_573, %dma_wait3A_574] : memref<4x2x100x64xf32, #tpu.memory_space<vmem>> -> memref<1x1x100x64xf32, #tpu.memory_space<vmem>>
      %dma_wait3A_576 = tpu.memref_squeeze %dma_wait3A_575 : memref<1x1x100x64xf32, #tpu.memory_space<vmem>> -> memref<100x64xf32, #tpu.memory_space<vmem>>
      %dma_wait3A_577 = arith.constant 0 : i32
      %dma_wait3A_578 = arith.constant 0 : i32
      %dma_wait3A_579 = tpu.memref_slice %arg3[%dma_wait3A_577, %dma_wait3A_578] : memref<1000000x64xf32, #tpu.memory_space<hbm>> -> memref<100x64xf32, #tpu.memory_space<hbm>>
      tpu.wait_dma2 semaphore(%arg11 : memref<!tpu.dma_semaphore, #tpu.memory_space<semaphore_mem>>) src(%dma_wait3A_579 : memref<100x64xf32, #tpu.memory_space<hbm>>) dst(%dma_wait3A_576 : memref<100x64xf32, #tpu.memory_space<vmem>>)
      %parallel_loop3A_580 = arith.constant 0 : i32
      %parallel_loop3A_581 = arith.constant 100 : i32
      %parallel_loop3A_582 = arith.constant 1 : i32
      %parallel_loop3A_583 = arith.constant 3 : i32
      %parallel_loop3A_584 = arith.constant 0 : i32
      %parallel_loop3A_585 = arith.constant 3 : i32
      %parallel_loop3A_586 = arith.constant 1 : i32
      %parallel_loop3A_587:8 = scf.for %parallel_loop3A_646 = %parallel_loop3A_580 to %parallel_loop3A_581 step %parallel_loop3A_582 iter_args(%parallel_loop3A_647 = %broadcast_in_dim3A_3, %parallel_loop3A_648 = %broadcast_in_dim3A_3, %parallel_loop3A_649 = %broadcast_in_dim3A_3, %parallel_loop3A_650 = %broadcast_in_dim3A_3, %parallel_loop3A_651 = %broadcast_in_dim3A_3, %parallel_loop3A_652 = %broadcast_in_dim3A_3, %parallel_loop3A_653 = %broadcast_in_dim3A_3, %parallel_loop3A_654 = %broadcast_in_dim3A_3) -> (vector<16xf32>, vector<16xf32>, vector<16xf32>, vector<16xf32>, vector<16xf32>, vector<16xf32>, vector<16xf32>, vector<16xf32>)  : i32 {
        %parallel_loop3A_655 = arith.constant 0 : i32
        %parallel_loop3A_656 = arith.constant 0 : i32
        %parallel_loop3A_657 = tpu.memref_slice %arg6[%parallel_loop3A_583, %parallel_loop3A_584, %parallel_loop3A_655, %parallel_loop3A_656] : memref<4x2x100x64xf32, #tpu.memory_space<vmem>> -> memref<1x1x100x64xf32, #tpu.memory_space<vmem>>
        %parallel_loop3A_658 = tpu.memref_squeeze %parallel_loop3A_657 : memref<1x1x100x64xf32, #tpu.memory_space<vmem>> -> memref<100x64xf32, #tpu.memory_space<vmem>>
        %parallel_loop3A_659 = arith.index_cast %parallel_loop3A_646 : i32 to index
        %parallel_loop3A_660 = arith.constant 0 : index
        %parallel_loop3A_661 = tpu.vector_load %parallel_loop3A_658[%parallel_loop3A_659, %parallel_loop3A_660] {strides = array<i32>} : memref<100x64xf32, #tpu.memory_space<vmem>>, vector<1x16xf32>,
        %parallel_loop3A_662 = vector.shape_cast %parallel_loop3A_661 : vector<1x16xf32> to vector<16xf32>
        %parallel_loop3A_663 = arith.maximumf %parallel_loop3A_647, %parallel_loop3A_662 : vector<16xf32>
        %parallel_loop3A_664 = arith.constant 0 : i32
        %parallel_loop3A_665 = arith.constant 0 : i32
        %parallel_loop3A_666 = tpu.memref_slice %arg6[%parallel_loop3A_583, %parallel_loop3A_584, %parallel_loop3A_664, %parallel_loop3A_665] : memref<4x2x100x64xf32, #tpu.memory_space<vmem>> -> memref<1x1x100x64xf32, #tpu.memory_space<vmem>>
        %parallel_loop3A_667 = tpu.memref_squeeze %parallel_loop3A_666 : memref<1x1x100x64xf32, #tpu.memory_space<vmem>> -> memref<100x64xf32, #tpu.memory_space<vmem>>
        %parallel_loop3A_668 = arith.index_cast %parallel_loop3A_646 : i32 to index
        %parallel_loop3A_669 = arith.constant 16 : index
        %parallel_loop3A_670 = tpu.vector_load %parallel_loop3A_667[%parallel_loop3A_668, %parallel_loop3A_669] {strides = array<i32>} : memref<100x64xf32, #tpu.memory_space<vmem>>, vector<1x16xf32>,
        %parallel_loop3A_671 = vector.shape_cast %parallel_loop3A_670 : vector<1x16xf32> to vector<16xf32>
        %parallel_loop3A_672 = arith.maximumf %parallel_loop3A_648, %parallel_loop3A_671 : vector<16xf32>
        %parallel_loop3A_673 = arith.constant 0 : i32
        %parallel_loop3A_674 = arith.constant 0 : i32
        %parallel_loop3A_675 = tpu.memref_slice %arg6[%parallel_loop3A_583, %parallel_loop3A_584, %parallel_loop3A_673, %parallel_loop3A_674] : memref<4x2x100x64xf32, #tpu.memory_space<vmem>> -> memref<1x1x100x64xf32, #tpu.memory_space<vmem>>
        %parallel_loop3A_676 = tpu.memref_squeeze %parallel_loop3A_675 : memref<1x1x100x64xf32, #tpu.memory_space<vmem>> -> memref<100x64xf32, #tpu.memory_space<vmem>>
        %parallel_loop3A_677 = arith.index_cast %parallel_loop3A_646 : i32 to index
        %parallel_loop3A_678 = arith.constant 32 : index
        %parallel_loop3A_679 = tpu.vector_load %parallel_loop3A_676[%parallel_loop3A_677, %parallel_loop3A_678] {strides = array<i32>} : memref<100x64xf32, #tpu.memory_space<vmem>>, vector<1x16xf32>,
        %parallel_loop3A_680 = vector.shape_cast %parallel_loop3A_679 : vector<1x16xf32> to vector<16xf32>
        %parallel_loop3A_681 = arith.maximumf %parallel_loop3A_649, %parallel_loop3A_680 : vector<16xf32>
        %parallel_loop3A_682 = arith.constant 0 : i32
        %parallel_loop3A_683 = arith.constant 0 : i32
        %parallel_loop3A_684 = tpu.memref_slice %arg6[%parallel_loop3A_583, %parallel_loop3A_584, %parallel_loop3A_682, %parallel_loop3A_683] : memref<4x2x100x64xf32, #tpu.memory_space<vmem>> -> memref<1x1x100x64xf32, #tpu.memory_space<vmem>>
        %parallel_loop3A_685 = tpu.memref_squeeze %parallel_loop3A_684 : memref<1x1x100x64xf32, #tpu.memory_space<vmem>> -> memref<100x64xf32, #tpu.memory_space<vmem>>
        %parallel_loop3A_686 = arith.index_cast %parallel_loop3A_646 : i32 to index
        %parallel_loop3A_687 = arith.constant 48 : index
        %parallel_loop3A_688 = tpu.vector_load %parallel_loop3A_685[%parallel_loop3A_686, %parallel_loop3A_687] {strides = array<i32>} : memref<100x64xf32, #tpu.memory_space<vmem>>, vector<1x16xf32>,
        %parallel_loop3A_689 = vector.shape_cast %parallel_loop3A_688 : vector<1x16xf32> to vector<16xf32>
        %parallel_loop3A_690 = arith.maximumf %parallel_loop3A_650, %parallel_loop3A_689 : vector<16xf32>
        %parallel_loop3A_691 = arith.constant 0 : i32
        %parallel_loop3A_692 = arith.constant 0 : i32
        %parallel_loop3A_693 = tpu.memref_slice %arg6[%parallel_loop3A_585, %parallel_loop3A_586, %parallel_loop3A_691, %parallel_loop3A_692] : memref<4x2x100x64xf32, #tpu.memory_space<vmem>> -> memref<1x1x100x64xf32, #tpu.memory_space<vmem>>
        %parallel_loop3A_694 = tpu.memref_squeeze %parallel_loop3A_693 : memref<1x1x100x64xf32, #tpu.memory_space<vmem>> -> memref<100x64xf32, #tpu.memory_space<vmem>>
        %parallel_loop3A_695 = arith.index_cast %parallel_loop3A_646 : i32 to index
        %parallel_loop3A_696 = arith.constant 0 : index
        %parallel_loop3A_697 = tpu.vector_load %parallel_loop3A_694[%parallel_loop3A_695, %parallel_loop3A_696] {strides = array<i32>} : memref<100x64xf32, #tpu.memory_space<vmem>>, vector<1x16xf32>,
        %parallel_loop3A_698 = vector.shape_cast %parallel_loop3A_697 : vector<1x16xf32> to vector<16xf32>
        %parallel_loop3A_699 = arith.maximumf %parallel_loop3A_651, %parallel_loop3A_698 : vector<16xf32>
        %parallel_loop3A_700 = arith.constant 0 : i32
        %parallel_loop3A_701 = arith.constant 0 : i32
        %parallel_loop3A_702 = tpu.memref_slice %arg6[%parallel_loop3A_585, %parallel_loop3A_586, %parallel_loop3A_700, %parallel_loop3A_701] : memref<4x2x100x64xf32, #tpu.memory_space<vmem>> -> memref<1x1x100x64xf32, #tpu.memory_space<vmem>>
        %parallel_loop3A_703 = tpu.memref_squeeze %parallel_loop3A_702 : memref<1x1x100x64xf32, #tpu.memory_space<vmem>> -> memref<100x64xf32, #tpu.memory_space<vmem>>
        %parallel_loop3A_704 = arith.index_cast %parallel_loop3A_646 : i32 to index
        %parallel_loop3A_705 = arith.constant 16 : index
        %parallel_loop3A_706 = tpu.vector_load %parallel_loop3A_703[%parallel_loop3A_704, %parallel_loop3A_705] {strides = array<i32>} : memref<100x64xf32, #tpu.memory_space<vmem>>, vector<1x16xf32>,
        %parallel_loop3A_707 = vector.shape_cast %parallel_loop3A_706 : vector<1x16xf32> to vector<16xf32>
        %parallel_loop3A_708 = arith.maximumf %parallel_loop3A_652, %parallel_loop3A_707 : vector<16xf32>
        %parallel_loop3A_709 = arith.constant 0 : i32
        %parallel_loop3A_710 = arith.constant 0 : i32
        %parallel_loop3A_711 = tpu.memref_slice %arg6[%parallel_loop3A_585, %parallel_loop3A_586, %parallel_loop3A_709, %parallel_loop3A_710] : memref<4x2x100x64xf32, #tpu.memory_space<vmem>> -> memref<1x1x100x64xf32, #tpu.memory_space<vmem>>
        %parallel_loop3A_712 = tpu.memref_squeeze %parallel_loop3A_711 : memref<1x1x100x64xf32, #tpu.memory_space<vmem>> -> memref<100x64xf32, #tpu.memory_space<vmem>>
        %parallel_loop3A_713 = arith.index_cast %parallel_loop3A_646 : i32 to index
        %parallel_loop3A_714 = arith.constant 32 : index
        %parallel_loop3A_715 = tpu.vector_load %parallel_loop3A_712[%parallel_loop3A_713, %parallel_loop3A_714] {strides = array<i32>} : memref<100x64xf32, #tpu.memory_space<vmem>>, vector<1x16xf32>,
        %parallel_loop3A_716 = vector.shape_cast %parallel_loop3A_715 : vector<1x16xf32> to vector<16xf32>
        %parallel_loop3A_717 = arith.maximumf %parallel_loop3A_653, %parallel_loop3A_716 : vector<16xf32>
        %parallel_loop3A_718 = arith.constant 0 : i32
        %parallel_loop3A_719 = arith.constant 0 : i32
        %parallel_loop3A_720 = tpu.memref_slice %arg6[%parallel_loop3A_585, %parallel_loop3A_586, %parallel_loop3A_718, %parallel_loop3A_719] : memref<4x2x100x64xf32, #tpu.memory_space<vmem>> -> memref<1x1x100x64xf32, #tpu.memory_space<vmem>>
        %parallel_loop3A_721 = tpu.memref_squeeze %parallel_loop3A_720 : memref<1x1x100x64xf32, #tpu.memory_space<vmem>> -> memref<100x64xf32, #tpu.memory_space<vmem>>
        %parallel_loop3A_722 = arith.index_cast %parallel_loop3A_646 : i32 to index
        %parallel_loop3A_723 = arith.constant 48 : index
        %parallel_loop3A_724 = tpu.vector_load %parallel_loop3A_721[%parallel_loop3A_722, %parallel_loop3A_723] {strides = array<i32>} : memref<100x64xf32, #tpu.memory_space<vmem>>, vector<1x16xf32>,
        %parallel_loop3A_725 = vector.shape_cast %parallel_loop3A_724 : vector<1x16xf32> to vector<16xf32>
        %parallel_loop3A_726 = arith.maximumf %parallel_loop3A_654, %parallel_loop3A_725 : vector<16xf32>
        scf.yield %parallel_loop3A_663, %parallel_loop3A_672, %parallel_loop3A_681, %parallel_loop3A_690, %parallel_loop3A_699, %parallel_loop3A_708, %parallel_loop3A_717, %parallel_loop3A_726 : vector<16xf32>, vector<16xf32>, vector<16xf32>, vector<16xf32>, vector<16xf32>, vector<16xf32>, vector<16xf32>, vector<16xf32>
      } {sc.loop_unroll_factor = 4 : i64, sc.parallel_access}
      %max3A_588 = arith.maximumf %parallel_loop3A_587#0, %parallel_loop3A_587#4 : vector<16xf32>
      %max3A_589 = arith.maximumf %parallel_loop3A_587#1, %parallel_loop3A_587#5 : vector<16xf32>
      %max3A_590 = arith.maximumf %parallel_loop3A_587#2, %parallel_loop3A_587#6 : vector<16xf32>
      %max3A_591 = arith.maximumf %parallel_loop3A_587#3, %parallel_loop3A_587#7 : vector<16xf32>
      %swap3A_592 = arith.index_cast %add3A_547 : i32 to index
      %swap3A_593 = arith.constant 0 : index
      %swap3A_594 = tpu.vector_load %arg7[%swap3A_592, %swap3A_593] {strides = array<i32>} : memref<128x64xf32, #tpu.memory_space<vmem>>, vector<1x16xf32>,
      %swap3A_595 = vector.shape_cast %swap3A_594 : vector<1x16xf32> to vector<16xf32>
      %swap3A_596 = vector.shape_cast %max3A_588 : vector<16xf32> to vector<1x16xf32>
      tpu.vector_store %arg7[%swap3A_592, %swap3A_593], %swap3A_596 {strides = array<i32>} : memref<128x64xf32, #tpu.memory_space<vmem>>, vector<1x16xf32>,
      %swap3A_597 = arith.index_cast %add3A_547 : i32 to index
      %swap3A_598 = arith.constant 16 : index
      %swap3A_599 = tpu.vector_load %arg7[%swap3A_597, %swap3A_598] {strides = array<i32>} : memref<128x64xf32, #tpu.memory_space<vmem>>, vector<1x16xf32>,
      %swap3A_600 = vector.shape_cast %swap3A_599 : vector<1x16xf32> to vector<16xf32>
      %swap3A_601 = vector.shape_cast %max3A_589 : vector<16xf32> to vector<1x16xf32>
      tpu.vector_store %arg7[%swap3A_597, %swap3A_598], %swap3A_601 {strides = array<i32>} : memref<128x64xf32, #tpu.memory_space<vmem>>, vector<1x16xf32>,
      %swap3A_602 = arith.index_cast %add3A_547 : i32 to index
      %swap3A_603 = arith.constant 32 : index
      %swap3A_604 = tpu.vector_load %arg7[%swap3A_602, %swap3A_603] {strides = array<i32>} : memref<128x64xf32, #tpu.memory_space<vmem>>, vector<1x16xf32>,
      %swap3A_605 = vector.shape_cast %swap3A_604 : vector<1x16xf32> to vector<16xf32>
      %swap3A_606 = vector.shape_cast %max3A_590 : vector<16xf32> to vector<1x16xf32>
      tpu.vector_store %arg7[%swap3A_602, %swap3A_603], %swap3A_606 {strides = array<i32>} : memref<128x64xf32, #tpu.memory_space<vmem>>, vector<1x16xf32>,
      %swap3A_607 = arith.index_cast %add3A_547 : i32 to index
      %swap3A_608 = arith.constant 48 : index
      %swap3A_609 = tpu.vector_load %arg7[%swap3A_607, %swap3A_608] {strides = array<i32>} : memref<128x64xf32, #tpu.memory_space<vmem>>, vector<1x16xf32>,
      %swap3A_610 = vector.shape_cast %swap3A_609 : vector<1x16xf32> to vector<16xf32>
      %swap3A_611 = vector.shape_cast %max3A_591 : vector<16xf32> to vector<1x16xf32>
      tpu.vector_store %arg7[%swap3A_607, %swap3A_608], %swap3A_611 {strides = array<i32>} : memref<128x64xf32, #tpu.memory_space<vmem>>, vector<1x16xf32>,
      %add3A_612 = arith.constant 4 : i32
      %add3A_613 = arith.addi %add3A_547, %add3A_612 : i32
      %rem3A_614 = arith.constant 128 : i32
      %rem3A_615 = arith.remsi %add3A_613, %rem3A_614 : i32
      %mul3A_616 = arith.constant 2 : i32
      %mul3A_617 = arith.muli %mul3A_616, %rem3A_615 : i32
      %dma_start3A_618 = arith.constant 3 : i32
      %dma_start3A_619 = arith.constant 0 : i32
      %dma_start3A_620 = arith.constant 0 : i32
      %dma_start3A_621 = arith.constant 0 : i32
      %dma_start3A_622 = tpu.memref_slice %arg6[%dma_start3A_618, %dma_start3A_619, %dma_start3A_620, %dma_start3A_621] : memref<4x2x100x64xf32, #tpu.memory_space<vmem>> -> memref<1x1x100x64xf32, #tpu.memory_space<vmem>>
      %dma_start3A_623 = tpu.memref_squeeze %dma_start3A_622 : memref<1x1x100x64xf32, #tpu.memory_space<vmem>> -> memref<100x64xf32, #tpu.memory_space<vmem>>
      %dma_start3A_624 = arith.constant 0 : i32
      %dma_start3A_625 = tpu.memref_slice %arg5[%mul3A_617, %dma_start3A_624] : memref<256x100xi32, #tpu.memory_space<vmem>> -> memref<1x100xi32, #tpu.memory_space<vmem>>
      %dma_start3A_626 = tpu.memref_squeeze %dma_start3A_625 : memref<1x100xi32, #tpu.memory_space<vmem>> -> memref<100xi32, #tpu.memory_space<vmem>>
      %dma_start3A_627 = arith.constant 0 : i32
      %dma_start3A_628 = arith.constant 0 : i32
      %dma_start3A_629 = tpu.memref_slice %arg3[%dma_start3A_627, %dma_start3A_628] : memref<1000000x64xf32, #tpu.memory_space<hbm>> -> memref<1000000x64xf32, #tpu.memory_space<hbm>>
      tpu.enqueue_indirect_dma source(%dma_start3A_629 : memref<1000000x64xf32, #tpu.memory_space<hbm>>) target(%dma_start3A_623 : memref<100x64xf32, #tpu.memory_space<vmem>>) offsets(%dma_start3A_626 : memref<100xi32, #tpu.memory_space<vmem>>) semaphore(%arg11 : memref<!tpu.dma_semaphore, #tpu.memory_space<semaphore_mem>>)
      %mul3A_630 = arith.constant 2 : i32
      %mul3A_631 = arith.muli %mul3A_630, %rem3A_615 : i32
      %add3A_632 = arith.constant 1 : i32
      %add3A_633 = arith.addi %mul3A_631, %add3A_632 : i32
      %dma_start3A_634 = arith.constant 3 : i32
      %dma_start3A_635 = arith.constant 1 : i32
      %dma_start3A_636 = arith.constant 0 : i32
      %dma_start3A_637 = arith.constant 0 : i32
      %dma_start3A_638 = tpu.memref_slice %arg6[%dma_start3A_634, %dma_start3A_635, %dma_start3A_636, %dma_start3A_637] : memref<4x2x100x64xf32, #tpu.memory_space<vmem>> -> memref<1x1x100x64xf32, #tpu.memory_space<vmem>>
      %dma_start3A_639 = tpu.memref_squeeze %dma_start3A_638 : memref<1x1x100x64xf32, #tpu.memory_space<vmem>> -> memref<100x64xf32, #tpu.memory_space<vmem>>
      %dma_start3A_640 = arith.constant 0 : i32
      %dma_start3A_641 = tpu.memref_slice %arg5[%add3A_633, %dma_start3A_640] : memref<256x100xi32, #tpu.memory_space<vmem>> -> memref<1x100xi32, #tpu.memory_space<vmem>>
      %dma_start3A_642 = tpu.memref_squeeze %dma_start3A_641 : memref<1x100xi32, #tpu.memory_space<vmem>> -> memref<100xi32, #tpu.memory_space<vmem>>
      %dma_start3A_643 = arith.constant 0 : i32
      %dma_start3A_644 = arith.constant 0 : i32
      %dma_start3A_645 = tpu.memref_slice %arg3[%dma_start3A_643, %dma_start3A_644] : memref<1000000x64xf32, #tpu.memory_space<hbm>> -> memref<1000000x64xf32, #tpu.memory_space<hbm>>
      tpu.enqueue_indirect_dma source(%dma_start3A_645 : memref<1000000x64xf32, #tpu.memory_space<hbm>>) target(%dma_start3A_639 : memref<100x64xf32, #tpu.memory_space<vmem>>) offsets(%dma_start3A_642 : memref<100xi32, #tpu.memory_space<vmem>>) semaphore(%arg11 : memref<!tpu.dma_semaphore, #tpu.memory_space<semaphore_mem>>)
    }
    %scan3A_111 = arith.constant 32 : i32
    %dma_wait3A = arith.constant 0 : i32
    %dma_wait3A_112 = arith.constant 0 : i32
    %dma_wait3A_113 = arith.constant 0 : i32
    %dma_wait3A_114 = arith.constant 0 : i32
    %dma_wait3A_115 = tpu.memref_slice %arg6[%dma_wait3A, %dma_wait3A_112, %dma_wait3A_113, %dma_wait3A_114] : memref<4x2x100x64xf32, #tpu.memory_space<vmem>> -> memref<1x1x100x64xf32, #tpu.memory_space<vmem>>
    %dma_wait3A_116 = tpu.memref_squeeze %dma_wait3A_115 : memref<1x1x100x64xf32, #tpu.memory_space<vmem>> -> memref<100x64xf32, #tpu.memory_space<vmem>>
    %dma_wait3A_117 = arith.constant 0 : i32
    %dma_wait3A_118 = arith.constant 0 : i32
    %dma_wait3A_119 = tpu.memref_slice %arg3[%dma_wait3A_117, %dma_wait3A_118] : memref<1000000x64xf32, #tpu.memory_space<hbm>> -> memref<100x64xf32, #tpu.memory_space<hbm>>
    %dma_wait3A_120 = arith.constant 0 : i32
    %dma_wait3A_121 = arith.constant 0 : i32
    %dma_wait3A_122 = tpu.memref_slice %arg6[%dma_wait3A, %dma_wait3A_112, %dma_wait3A_120, %dma_wait3A_121] : memref<4x2x100x64xf32, #tpu.memory_space<vmem>> -> memref<1x1x100x64xf32, #tpu.memory_space<vmem>>
    %dma_wait3A_123 = tpu.memref_squeeze %dma_wait3A_122 : memref<1x1x100x64xf32, #tpu.memory_space<vmem>> -> memref<100x64xf32, #tpu.memory_space<vmem>>
    %dma_wait3A_124 = arith.constant 0 : i32
    %dma_wait3A_125 = arith.constant 0 : i32
    %dma_wait3A_126 = tpu.memref_slice %arg3[%dma_wait3A_124, %dma_wait3A_125] : memref<1000000x64xf32, #tpu.memory_space<hbm>> -> memref<100x64xf32, #tpu.memory_space<hbm>>
    tpu.wait_dma2 semaphore(%arg8 : memref<!tpu.dma_semaphore, #tpu.memory_space<semaphore_mem>>) src(%dma_wait3A_126 : memref<100x64xf32, #tpu.memory_space<hbm>>) dst(%dma_wait3A_123 : memref<100x64xf32, #tpu.memory_space<vmem>>)
    %dma_wait3A_127 = arith.constant 0 : i32
    %dma_wait3A_128 = arith.constant 1 : i32
    %dma_wait3A_129 = arith.constant 0 : i32
    %dma_wait3A_130 = arith.constant 0 : i32
    %dma_wait3A_131 = tpu.memref_slice %arg6[%dma_wait3A_127, %dma_wait3A_128, %dma_wait3A_129, %dma_wait3A_130] : memref<4x2x100x64xf32, #tpu.memory_space<vmem>> -> memref<1x1x100x64xf32, #tpu.memory_space<vmem>>
    %dma_wait3A_132 = tpu.memref_squeeze %dma_wait3A_131 : memref<1x1x100x64xf32, #tpu.memory_space<vmem>> -> memref<100x64xf32, #tpu.memory_space<vmem>>
    %dma_wait3A_133 = arith.constant 0 : i32
    %dma_wait3A_134 = arith.constant 0 : i32
    %dma_wait3A_135 = tpu.memref_slice %arg3[%dma_wait3A_133, %dma_wait3A_134] : memref<1000000x64xf32, #tpu.memory_space<hbm>> -> memref<100x64xf32, #tpu.memory_space<hbm>>
    %dma_wait3A_136 = arith.constant 0 : i32
    %dma_wait3A_137 = arith.constant 0 : i32
    %dma_wait3A_138 = tpu.memref_slice %arg6[%dma_wait3A_127, %dma_wait3A_128, %dma_wait3A_136, %dma_wait3A_137] : memref<4x2x100x64xf32, #tpu.memory_space<vmem>> -> memref<1x1x100x64xf32, #tpu.memory_space<vmem>>
    %dma_wait3A_139 = tpu.memref_squeeze %dma_wait3A_138 : memref<1x1x100x64xf32, #tpu.memory_space<vmem>> -> memref<100x64xf32, #tpu.memory_space<vmem>>
    %dma_wait3A_140 = arith.constant 0 : i32
    %dma_wait3A_141 = arith.constant 0 : i32
    %dma_wait3A_142 = tpu.memref_slice %arg3[%dma_wait3A_140, %dma_wait3A_141] : memref<1000000x64xf32, #tpu.memory_space<hbm>> -> memref<100x64xf32, #tpu.memory_space<hbm>>
    tpu.wait_dma2 semaphore(%arg8 : memref<!tpu.dma_semaphore, #tpu.memory_space<semaphore_mem>>) src(%dma_wait3A_142 : memref<100x64xf32, #tpu.memory_space<hbm>>) dst(%dma_wait3A_139 : memref<100x64xf32, #tpu.memory_space<vmem>>)
    %dma_wait3A_143 = arith.constant 1 : i32
    %dma_wait3A_144 = arith.constant 0 : i32
    %dma_wait3A_145 = arith.constant 0 : i32
    %dma_wait3A_146 = arith.constant 0 : i32
    %dma_wait3A_147 = tpu.memref_slice %arg6[%dma_wait3A_143, %dma_wait3A_144, %dma_wait3A_145, %dma_wait3A_146] : memref<4x2x100x64xf32, #tpu.memory_space<vmem>> -> memref<1x1x100x64xf32, #tpu.memory_space<vmem>>
    %dma_wait3A_148 = tpu.memref_squeeze %dma_wait3A_147 : memref<1x1x100x64xf32, #tpu.memory_space<vmem>> -> memref<100x64xf32, #tpu.memory_space<vmem>>
    %dma_wait3A_149 = arith.constant 0 : i32
    %dma_wait3A_150 = arith.constant 0 : i32
    %dma_wait3A_151 = tpu.memref_slice %arg3[%dma_wait3A_149, %dma_wait3A_150] : memref<1000000x64xf32, #tpu.memory_space<hbm>> -> memref<100x64xf32, #tpu.memory_space<hbm>>
    %dma_wait3A_152 = arith.constant 0 : i32
    %dma_wait3A_153 = arith.constant 0 : i32
    %dma_wait3A_154 = tpu.memref_slice %arg6[%dma_wait3A_143, %dma_wait3A_144, %dma_wait3A_152, %dma_wait3A_153] : memref<4x2x100x64xf32, #tpu.memory_space<vmem>> -> memref<1x1x100x64xf32, #tpu.memory_space<vmem>>
    %dma_wait3A_155 = tpu.memref_squeeze %dma_wait3A_154 : memref<1x1x100x64xf32, #tpu.memory_space<vmem>> -> memref<100x64xf32, #tpu.memory_space<vmem>>
    %dma_wait3A_156 = arith.constant 0 : i32
    %dma_wait3A_157 = arith.constant 0 : i32
    %dma_wait3A_158 = tpu.memref_slice %arg3[%dma_wait3A_156, %dma_wait3A_157] : memref<1000000x64xf32, #tpu.memory_space<hbm>> -> memref<100x64xf32, #tpu.memory_space<hbm>>
    tpu.wait_dma2 semaphore(%arg9 : memref<!tpu.dma_semaphore, #tpu.memory_space<semaphore_mem>>) src(%dma_wait3A_158 : memref<100x64xf32, #tpu.memory_space<hbm>>) dst(%dma_wait3A_155 : memref<100x64xf32, #tpu.memory_space<vmem>>)
    %dma_wait3A_159 = arith.constant 1 : i32
    %dma_wait3A_160 = arith.constant 1 : i32
    %dma_wait3A_161 = arith.constant 0 : i32
    %dma_wait3A_162 = arith.constant 0 : i32
    %dma_wait3A_163 = tpu.memref_slice %arg6[%dma_wait3A_159, %dma_wait3A_160, %dma_wait3A_161, %dma_wait3A_162] : memref<4x2x100x64xf32, #tpu.memory_space<vmem>> -> memref<1x1x100x64xf32, #tpu.memory_space<vmem>>
    %dma_wait3A_164 = tpu.memref_squeeze %dma_wait3A_163 : memref<1x1x100x64xf32, #tpu.memory_space<vmem>> -> memref<100x64xf32, #tpu.memory_space<vmem>>
    %dma_wait3A_165 = arith.constant 0 : i32
    %dma_wait3A_166 = arith.constant 0 : i32
    %dma_wait3A_167 = tpu.memref_slice %arg3[%dma_wait3A_165, %dma_wait3A_166] : memref<1000000x64xf32, #tpu.memory_space<hbm>> -> memref<100x64xf32, #tpu.memory_space<hbm>>
    %dma_wait3A_168 = arith.constant 0 : i32
    %dma_wait3A_169 = arith.constant 0 : i32
    %dma_wait3A_170 = tpu.memref_slice %arg6[%dma_wait3A_159, %dma_wait3A_160, %dma_wait3A_168, %dma_wait3A_169] : memref<4x2x100x64xf32, #tpu.memory_space<vmem>> -> memref<1x1x100x64xf32, #tpu.memory_space<vmem>>
    %dma_wait3A_171 = tpu.memref_squeeze %dma_wait3A_170 : memref<1x1x100x64xf32, #tpu.memory_space<vmem>> -> memref<100x64xf32, #tpu.memory_space<vmem>>
    %dma_wait3A_172 = arith.constant 0 : i32
    %dma_wait3A_173 = arith.constant 0 : i32
    %dma_wait3A_174 = tpu.memref_slice %arg3[%dma_wait3A_172, %dma_wait3A_173] : memref<1000000x64xf32, #tpu.memory_space<hbm>> -> memref<100x64xf32, #tpu.memory_space<hbm>>
    tpu.wait_dma2 semaphore(%arg9 : memref<!tpu.dma_semaphore, #tpu.memory_space<semaphore_mem>>) src(%dma_wait3A_174 : memref<100x64xf32, #tpu.memory_space<hbm>>) dst(%dma_wait3A_171 : memref<100x64xf32, #tpu.memory_space<vmem>>)
    %dma_wait3A_175 = arith.constant 2 : i32
    %dma_wait3A_176 = arith.constant 0 : i32
    %dma_wait3A_177 = arith.constant 0 : i32
    %dma_wait3A_178 = arith.constant 0 : i32
    %dma_wait3A_179 = tpu.memref_slice %arg6[%dma_wait3A_175, %dma_wait3A_176, %dma_wait3A_177, %dma_wait3A_178] : memref<4x2x100x64xf32, #tpu.memory_space<vmem>> -> memref<1x1x100x64xf32, #tpu.memory_space<vmem>>
    %dma_wait3A_180 = tpu.memref_squeeze %dma_wait3A_179 : memref<1x1x100x64xf32, #tpu.memory_space<vmem>> -> memref<100x64xf32, #tpu.memory_space<vmem>>
    %dma_wait3A_181 = arith.constant 0 : i32
    %dma_wait3A_182 = arith.constant 0 : i32
    %dma_wait3A_183 = tpu.memref_slice %arg3[%dma_wait3A_181, %dma_wait3A_182] : memref<1000000x64xf32, #tpu.memory_space<hbm>> -> memref<100x64xf32, #tpu.memory_space<hbm>>
    %dma_wait3A_184 = arith.constant 0 : i32
    %dma_wait3A_185 = arith.constant 0 : i32
    %dma_wait3A_186 = tpu.memref_slice %arg6[%dma_wait3A_175, %dma_wait3A_176, %dma_wait3A_184, %dma_wait3A_185] : memref<4x2x100x64xf32, #tpu.memory_space<vmem>> -> memref<1x1x100x64xf32, #tpu.memory_space<vmem>>
    %dma_wait3A_187 = tpu.memref_squeeze %dma_wait3A_186 : memref<1x1x100x64xf32, #tpu.memory_space<vmem>> -> memref<100x64xf32, #tpu.memory_space<vmem>>
    %dma_wait3A_188 = arith.constant 0 : i32
    %dma_wait3A_189 = arith.constant 0 : i32
    %dma_wait3A_190 = tpu.memref_slice %arg3[%dma_wait3A_188, %dma_wait3A_189] : memref<1000000x64xf32, #tpu.memory_space<hbm>> -> memref<100x64xf32, #tpu.memory_space<hbm>>
    tpu.wait_dma2 semaphore(%arg10 : memref<!tpu.dma_semaphore, #tpu.memory_space<semaphore_mem>>) src(%dma_wait3A_190 : memref<100x64xf32, #tpu.memory_space<hbm>>) dst(%dma_wait3A_187 : memref<100x64xf32, #tpu.memory_space<vmem>>)
    %dma_wait3A_191 = arith.constant 2 : i32
    %dma_wait3A_192 = arith.constant 1 : i32
    %dma_wait3A_193 = arith.constant 0 : i32
    %dma_wait3A_194 = arith.constant 0 : i32
    %dma_wait3A_195 = tpu.memref_slice %arg6[%dma_wait3A_191, %dma_wait3A_192, %dma_wait3A_193, %dma_wait3A_194] : memref<4x2x100x64xf32, #tpu.memory_space<vmem>> -> memref<1x1x100x64xf32, #tpu.memory_space<vmem>>
    %dma_wait3A_196 = tpu.memref_squeeze %dma_wait3A_195 : memref<1x1x100x64xf32, #tpu.memory_space<vmem>> -> memref<100x64xf32, #tpu.memory_space<vmem>>
    %dma_wait3A_197 = arith.constant 0 : i32
    %dma_wait3A_198 = arith.constant 0 : i32
    %dma_wait3A_199 = tpu.memref_slice %arg3[%dma_wait3A_197, %dma_wait3A_198] : memref<1000000x64xf32, #tpu.memory_space<hbm>> -> memref<100x64xf32, #tpu.memory_space<hbm>>
    %dma_wait3A_200 = arith.constant 0 : i32
    %dma_wait3A_201 = arith.constant 0 : i32
    %dma_wait3A_202 = tpu.memref_slice %arg6[%dma_wait3A_191, %dma_wait3A_192, %dma_wait3A_200, %dma_wait3A_201] : memref<4x2x100x64xf32, #tpu.memory_space<vmem>> -> memref<1x1x100x64xf32, #tpu.memory_space<vmem>>
    %dma_wait3A_203 = tpu.memref_squeeze %dma_wait3A_202 : memref<1x1x100x64xf32, #tpu.memory_space<vmem>> -> memref<100x64xf32, #tpu.memory_space<vmem>>
    %dma_wait3A_204 = arith.constant 0 : i32
    %dma_wait3A_205 = arith.constant 0 : i32
    %dma_wait3A_206 = tpu.memref_slice %arg3[%dma_wait3A_204, %dma_wait3A_205] : memref<1000000x64xf32, #tpu.memory_space<hbm>> -> memref<100x64xf32, #tpu.memory_space<hbm>>
    tpu.wait_dma2 semaphore(%arg10 : memref<!tpu.dma_semaphore, #tpu.memory_space<semaphore_mem>>) src(%dma_wait3A_206 : memref<100x64xf32, #tpu.memory_space<hbm>>) dst(%dma_wait3A_203 : memref<100x64xf32, #tpu.memory_space<vmem>>)
    %dma_wait3A_207 = arith.constant 3 : i32
    %dma_wait3A_208 = arith.constant 0 : i32
    %dma_wait3A_209 = arith.constant 0 : i32
    %dma_wait3A_210 = arith.constant 0 : i32
    %dma_wait3A_211 = tpu.memref_slice %arg6[%dma_wait3A_207, %dma_wait3A_208, %dma_wait3A_209, %dma_wait3A_210] : memref<4x2x100x64xf32, #tpu.memory_space<vmem>> -> memref<1x1x100x64xf32, #tpu.memory_space<vmem>>
    %dma_wait3A_212 = tpu.memref_squeeze %dma_wait3A_211 : memref<1x1x100x64xf32, #tpu.memory_space<vmem>> -> memref<100x64xf32, #tpu.memory_space<vmem>>
    %dma_wait3A_213 = arith.constant 0 : i32
    %dma_wait3A_214 = arith.constant 0 : i32
    %dma_wait3A_215 = tpu.memref_slice %arg3[%dma_wait3A_213, %dma_wait3A_214] : memref<1000000x64xf32, #tpu.memory_space<hbm>> -> memref<100x64xf32, #tpu.memory_space<hbm>>
    %dma_wait3A_216 = arith.constant 0 : i32
    %dma_wait3A_217 = arith.constant 0 : i32
    %dma_wait3A_218 = tpu.memref_slice %arg6[%dma_wait3A_207, %dma_wait3A_208, %dma_wait3A_216, %dma_wait3A_217] : memref<4x2x100x64xf32, #tpu.memory_space<vmem>> -> memref<1x1x100x64xf32, #tpu.memory_space<vmem>>
    %dma_wait3A_219 = tpu.memref_squeeze %dma_wait3A_218 : memref<1x1x100x64xf32, #tpu.memory_space<vmem>> -> memref<100x64xf32, #tpu.memory_space<vmem>>
    %dma_wait3A_220 = arith.constant 0 : i32
    %dma_wait3A_221 = arith.constant 0 : i32
    %dma_wait3A_222 = tpu.memref_slice %arg3[%dma_wait3A_220, %dma_wait3A_221] : memref<1000000x64xf32, #tpu.memory_space<hbm>> -> memref<100x64xf32, #tpu.memory_space<hbm>>
    tpu.wait_dma2 semaphore(%arg11 : memref<!tpu.dma_semaphore, #tpu.memory_space<semaphore_mem>>) src(%dma_wait3A_222 : memref<100x64xf32, #tpu.memory_space<hbm>>) dst(%dma_wait3A_219 : memref<100x64xf32, #tpu.memory_space<vmem>>)
    %dma_wait3A_223 = arith.constant 3 : i32
    %dma_wait3A_224 = arith.constant 1 : i32
    %dma_wait3A_225 = arith.constant 0 : i32
    %dma_wait3A_226 = arith.constant 0 : i32
    %dma_wait3A_227 = tpu.memref_slice %arg6[%dma_wait3A_223, %dma_wait3A_224, %dma_wait3A_225, %dma_wait3A_226] : memref<4x2x100x64xf32, #tpu.memory_space<vmem>> -> memref<1x1x100x64xf32, #tpu.memory_space<vmem>>
    %dma_wait3A_228 = tpu.memref_squeeze %dma_wait3A_227 : memref<1x1x100x64xf32, #tpu.memory_space<vmem>> -> memref<100x64xf32, #tpu.memory_space<vmem>>
    %dma_wait3A_229 = arith.constant 0 : i32
    %dma_wait3A_230 = arith.constant 0 : i32
    %dma_wait3A_231 = tpu.memref_slice %arg3[%dma_wait3A_229, %dma_wait3A_230] : memref<1000000x64xf32, #tpu.memory_space<hbm>> -> memref<100x64xf32, #tpu.memory_space<hbm>>
    %dma_wait3A_232 = arith.constant 0 : i32
    %dma_wait3A_233 = arith.constant 0 : i32
    %dma_wait3A_234 = tpu.memref_slice %arg6[%dma_wait3A_223, %dma_wait3A_224, %dma_wait3A_232, %dma_wait3A_233] : memref<4x2x100x64xf32, #tpu.memory_space<vmem>> -> memref<1x1x100x64xf32, #tpu.memory_space<vmem>>
    %dma_wait3A_235 = tpu.memref_squeeze %dma_wait3A_234 : memref<1x1x100x64xf32, #tpu.memory_space<vmem>> -> memref<100x64xf32, #tpu.memory_space<vmem>>
    %dma_wait3A_236 = arith.constant 0 : i32
    %dma_wait3A_237 = arith.constant 0 : i32
    %dma_wait3A_238 = tpu.memref_slice %arg3[%dma_wait3A_236, %dma_wait3A_237] : memref<1000000x64xf32, #tpu.memory_space<hbm>> -> memref<100x64xf32, #tpu.memory_space<hbm>>
    tpu.wait_dma2 semaphore(%arg11 : memref<!tpu.dma_semaphore, #tpu.memory_space<semaphore_mem>>) src(%dma_wait3A_238 : memref<100x64xf32, #tpu.memory_space<hbm>>) dst(%dma_wait3A_235 : memref<100x64xf32, #tpu.memory_space<vmem>>)
    %mul3A_239 = arith.constant 128 : i32
    %mul3A_240 = arith.muli %add3A, %mul3A_239 : i32
    "tpu.region"() ({
      %run_scoped3A = tpu.sem_alloc : memref<!tpu.dma_semaphore, #tpu.memory_space<semaphore_mem>>
      %dma_start3A_241 = arith.constant 0 : i32
      %dma_start3A_242 = tpu.memref_slice %arg4[%mul3A_240, %dma_start3A_241] : memref<4096x64xf32, #tpu.memory_space<hbm>> -> memref<128x64xf32, #tpu.memory_space<hbm>>
      %dma_start3A_243 = arith.constant 0 : i32
      %dma_start3A_244 = tpu.memref_slice %arg4[%mul3A_240, %dma_start3A_243] : memref<4096x64xf32, #tpu.memory_space<hbm>> -> memref<128x64xf32, #tpu.memory_space<hbm>>
      tpu.enqueue_dma source(%arg7 : memref<128x64xf32, #tpu.memory_space<vmem>>) target(%dma_start3A_244 : memref<128x64xf32, #tpu.memory_space<hbm>>) target_semaphore(%run_scoped3A : memref<!tpu.dma_semaphore, #tpu.memory_space<semaphore_mem>>)
      %dma_wait3A_245 = arith.constant 0 : i32
      %dma_wait3A_246 = tpu.memref_slice %arg4[%mul3A_240, %dma_wait3A_245] : memref<4096x64xf32, #tpu.memory_space<hbm>> -> memref<128x64xf32, #tpu.memory_space<hbm>>
      %dma_wait3A_247 = arith.constant 0 : i32
      %dma_wait3A_248 = tpu.memref_slice %arg4[%mul3A_240, %dma_wait3A_247] : memref<4096x64xf32, #tpu.memory_space<hbm>> -> memref<128x64xf32, #tpu.memory_space<hbm>>
      tpu.wait_dma2 semaphore(%run_scoped3A : memref<!tpu.dma_semaphore, #tpu.memory_space<semaphore_mem>>) src(%arg7 : memref<128x64xf32, #tpu.memory_space<vmem>>) dst(%dma_wait3A_248 : memref<128x64xf32, #tpu.memory_space<hbm>>)
      tpu.yield
    }) : () -> ()
    return
  }
}

module attributes {stable_mosaic.version = 14 : i64} {
  func.func @_matmul_body(%arg0: memref<4096x64xf32, #tpu.memory_space<vmem>>, %arg1: memref<64x8xf32, #tpu.memory_space<vmem>>, %arg2: memref<1x8xf32, #tpu.memory_space<vmem>>, %arg3: memref<4096x8xf32, #tpu.memory_space<vmem>>) attributes {dimension_semantics = [], scalar_prefetch = 0 : i64, scratch_operands = 0 : i64, tpu.core_type = #tpu.core_type<tc>} {
    %get3A = arith.constant 0 : index
    %get3A_0 = arith.constant 0 : index
    %get3A_1 = vector.load %arg0[%get3A, %get3A_0] : memref<4096x64xf32, #tpu.memory_space<vmem>>, vector<4096x64xf32>
    %get3A_2 = arith.constant 0 : index
    %get3A_3 = arith.constant 0 : index
    %get3A_4 = vector.load %arg1[%get3A_2, %get3A_3] : memref<64x8xf32, #tpu.memory_space<vmem>>, vector<64x8xf32>
    %dot_general3A = arith.constant dense<0.000000e+00> : vector<4096x8xf32>
    %dot_general3A_5 = tpu.matmul %get3A_1, %get3A_4, %dot_general3A {dimension_numbers = #tpu.dot_dimension_numbers<[1], [0], [0], [1], [0, 0, 1, 1], [], []>, transpose_lhs_hint = false} : vector<4096x64xf32>, vector<64x8xf32>, vector<4096x8xf32> -> vector<4096x8xf32>
    %get3A_6 = arith.constant 0 : index
    %get3A_7 = arith.constant 0 : index
    %get3A_8 = vector.load %arg2[%get3A_6, %get3A_7] : memref<1x8xf32, #tpu.memory_space<vmem>>, vector<1x8xf32>
    %add3A = vector.broadcast %get3A_8 : vector<1x8xf32> to vector<4096x8xf32>
    %add3A_9 = arith.addf %dot_general3A_5, %add3A : vector<4096x8xf32>
    %swap3A = arith.constant 0 : index
    %swap3A_10 = arith.constant 0 : index
    %swap3A_11 = vector.load %arg3[%swap3A, %swap3A_10] : memref<4096x8xf32, #tpu.memory_space<vmem>>, vector<4096x8xf32>
    tpu.vector_store %arg3[%swap3A, %swap3A_10], %add3A_9 {strides = array<i32>} : memref<4096x8xf32, #tpu.memory_space<vmem>>, vector<4096x8xf32>,
    return
  }
}

</mosaic_0001>

<sc_bundles>
// kernel: kernel.4.cloned.1.call-start
scs
__scs_entry_jumppad:
0x0: {  	(pc) =	sbr.rel $0x88, $3  }
0x1: {  	(tag) =	ssettag $0x0;
	lr =	simm.s32 $0x1  }
0x2: {  	[smem:$0x3F9D] =	sst lr;
	_ =	strace $0xD0000000  }
0x3: {  	_ = 	snop  }
0x4: {  	_ = 	snop  }
0x5: {  	_ = 	snop  }
0x6: {  	_ = 	snop  }
0x7: {  	_ = 	snop  }
__scs_overlays_trampoline_lowered:
0x8: {  	[smem:$0x3FAC] =	sst s0  }
0x9: {  	[smem:$0x3FAD] =	sst s1  }
0xa: {  	[smem:$0x3FAE] =	sst s2  }
0xb: {  	[smem:$0x3FAF] =	sst s3  }
0xc: {  	[smem:$0x3FB0] =	sst s4  }
0xd: {  	[smem:$0x3FB1] =	sst s5  }
0xe: {  	[smem:$0x3FB2] =	sst s6  }
0xf: {  	[smem:$0x3FB3] =	sst s7  }
0x10: {  	[smem:$0x3FB4] =	sst s8  }
0x11: {  	[smem:$0x3FB5] =	sst s9;
	s0 =	simm.s32 @!p0 $0x0  }
0x12: {  	s1 =	sld [smem:$0x3F9B];
	s0 =	simm.s32 @p0 $0x1  }
0x13: {  	[smem:$0x3FB6] =	sst s0;
	s0 =	simm.s32 @!p1 $0x0  }
0x14: {  	s2 =	sld [smem:$0x3F9A];
	s0 =	simm.s32 @p1 $0x1  }
0x15: {  	[smem:$0x3FB7] =	sst s0;
	s0 =	simm.s32 @!p2 $0x0  }
0x16: {  	s3 =	sld [smem:$0x3FDB];
	s0 =	simm.s32 @p2 $0x1  }
0x17: {  	s4 =	simm.s32 $0x1BF5;
	[smem:$0x3FB9] =	sst s0  }
0x18: {  	s0 =	sld [smem:$0x3F9C];
	_ =	swait.ge [sflag:s4], $0x0  }
0x19: {  	s7 =	sld [smem:$0x3F9D]  }
0x1a: {  	s8 =	sadd.s32 $0xFFFFE003, lr  }
0x1b: {  	s9 =	sadd.s32 $0xFFFFFEF7, lr;
	s5 =	simm.s32 $0xFFFFFFFF;
	p2 =	slt.u32 s8, $0xFFFFF086  }
0x1c: {  	p1 =	slt.u32 s9, $0xF7A;
	s5 =	simm.s32 @!p2 $0x0  }
0x1d: {  	s5 =	simm.s32 @p1 $0x1;
	p0 =	seq.s32 s7, s2  }
0x1e: {  	s7 =	smul.u32 @!p0 $0xF7A, s2;
	p2 =	seq.s32 @!p0 s5, $0x0  }
0x1f: {  	s9 =	smul.u32 $0xF7A, s1;
	s8 =	simm.s32 @!p0 $0x1BF5;
	p2 =	por !p2, p0  }
0x20: {  	[sflag:s8] =	ssyncset.s32 @!p0 $0xFFFFF086;
	s6 =	sadd.s32 @!p0 s3, s7;
	s7 =	simm.s32 @!p0 $0x108  }
0x21: {  	s3 =	sadd.s32 s3, s9;
	s6 =	sadd.s32 @!p0 $0x88, s6;
	s7 =	simm.s32 @p2 $0x1082  }
0x22: {  	[simem:s7], [sflag:s8] =	dma.local @!p0 [hbm:s6], $0xF7A  }
0x23: {  	s9 =	sor.u32 $0xD0000000, s2;
	s6 =	simm.s32 $0x108;
	_ =	swait.ge @!p0 [sflag:s8], $0x0  }
0x24: {  	s3 =	sadd.s32 $0x88, s3;
	s6 =	simm.s32 @!p1 $0x1082;
	[sflag:s4] =	ssyncset.s32 $0xFFFFF086  }
0x25: {  	[simem:s6], [sflag:s4] =	dma.local [hbm:s3], $0xF7A  }
0x26: {  	[smem:$0x3F9D] =	sst s1;
	(tag) =	ssettag s2;
	_ =	strace s9  }
0x27: {  	s1 =	sld [smem:$0x3FAD]  }
0x28: {  	s2 =	sld [smem:$0x3FAE]  }
0x29: {  	s4 =	sld [smem:$0x3FB0]  }
0x2a: {  	p0 =	seq.s32 s5, $0x0;
	s5 =	sld [smem:$0x3FB1]  }
0x2b: {  	s6 =	sld [smem:$0x3FB2]  }
0x2c: {  	s7 =	sld [smem:$0x3FB3]  }
0x2d: {  	s3 =	simm.s32 $0x108;
	s8 =	sld [smem:$0x3FB4]  }
0x2e: {  	s3 =	simm.s32 @!p0 $0x1082;
	s9 =	sld [smem:$0x3FB5]  }
0x2f: {  	lr =	sadd.s32 s0, s3;
	s0 =	sld [smem:$0x3FAC]  }
0x30: {  	s3 =	sld [smem:$0x3FAF]  }
0x31: {  	[smem:$0x3FB8] =	sst s10  }
0x32: {  	s10 =	sld [smem:$0x3FB6];
	_ =	sdelay $0x3  }
0x33: {  	p0 =	seq.s32 s10, $0x1;
	s10 =	sld [smem:$0x3FB8];
	_ =	sdelay $0x3  }
0x34: {  	[smem:$0x3FB8] =	sst s10  }
0x35: {  	s10 =	sld [smem:$0x3FB7];
	_ =	sdelay $0x3  }
0x36: {  	p1 =	seq.s32 s10, $0x1;
	s10 =	sld [smem:$0x3FB8];
	_ =	sdelay $0x3  }
0x37: {  	[smem:$0x3FB8] =	sst s10  }
0x38: {  	s10 =	sld [smem:$0x3FB9]  }
0x39: {  	_ = 	snop;
	(pc) =	sbr.ind lr, $3  }
0x3a: {  	_ = 	snop  }
0x3b: {  	_ = 	snop  }
0x3c: {  	p2 =	seq.s32 s10, $0x1;
	s10 =	sld [smem:$0x3FB8]  }
0x3d: {  	_ =	shalt  }
0x3e: {  	_ =	shalt  }
0x3f: {  	_ =	shalt  }
0x40: {  	_ =	shalt  }
0x41: {  	_ =	shalt  }
0x42: {  	_ =	shalt  }
0x43: {  	_ =	shalt  }
0x44: {  	_ =	shalt  }
0x45: {  	_ =	shalt  }
0x46: {  	_ =	shalt  }
0x47: {  	_ =	shalt  }
0x48: {  	_ =	shalt  }
0x49: {  	_ =	shalt  }
0x4a: {  	_ =	shalt  }
0x4b: {  	_ =	shalt  }
0x4c: {  	_ =	shalt  }
0x4d: {  	_ =	shalt  }
0x4e: {  	_ =	shalt  }
0x4f: {  	_ =	shalt  }
0x50: {  	_ =	shalt  }
0x51: {  	_ =	shalt  }
0x52: {  	_ =	shalt  }
0x53: {  	_ =	shalt  }
0x54: {  	_ =	shalt  }
0x55: {  	_ =	shalt  }
0x56: {  	_ =	shalt  }
0x57: {  	_ =	shalt  }
0x58: {  	_ =	shalt  }
0x59: {  	_ =	shalt  }
0x5a: {  	_ =	shalt  }
0x5b: {  	_ =	shalt  }
0x5c: {  	_ =	shalt  }
0x5d: {  	_ =	shalt  }
0x5e: {  	_ =	shalt  }
0x5f: {  	_ =	shalt  }
0x60: {  	_ =	shalt  }
0x61: {  	_ =	shalt  }
0x62: {  	_ =	shalt  }
0x63: {  	_ =	shalt  }
0x64: {  	_ =	shalt  }
0x65: {  	_ =	shalt  }
0x66: {  	_ =	shalt  }
0x67: {  	_ =	shalt  }
0x68: {  	_ =	shalt  }
0x69: {  	_ =	shalt  }
0x6a: {  	_ =	shalt  }
0x6b: {  	_ =	shalt  }
0x6c: {  	_ =	shalt  }
0x6d: {  	_ =	shalt  }
0x6e: {  	_ =	shalt  }
0x6f: {  	_ =	shalt  }
0x70: {  	_ =	shalt  }
0x71: {  	_ =	shalt  }
0x72: {  	_ =	shalt  }
0x73: {  	_ =	shalt  }
0x74: {  	_ =	shalt  }
0x75: {  	_ =	shalt  }
0x76: {  	_ =	shalt  }
0x77: {  	_ =	shalt  }
0x78: {  	_ =	shalt  }
0x79: {  	_ =	shalt  }
0x7a: {  	_ =	shalt  }
0x7b: {  	_ =	shalt  }
0x7c: {  	_ =	shalt  }
0x7d: {  	_ =	shalt  }
0x7e: {  	_ =	shalt  }
0x7f: {  	_ =	shalt  }
0x80: {  	_ =	shalt  }
0x81: {  	_ =	shalt  }
0x82: {  	_ =	shalt  }
0x83: {  	_ =	shalt  }
0x84: {  	_ =	shalt  }
0x85: {  	_ =	shalt  }
0x86: {  	_ =	shalt  }
0x87: {  	_ =	shalt  }
.Lfunc_end0:
.L_simem_size_0:
called_computation_lowered:
.L_overlay_start_0:
0x88: {  	s2 =	sld [smem:$0x3FD9]  }
0x89: {  	s3 =	sld [smem:$0x3FFE];
	_ =	sdelay $0x1  }
0x8a: {  	s1 =	srdreg.scid  }
0x8b: {  	s0 =	sand.u32 $0x1, s1  }
0x8c: {  	s16 =	sshll.u32 s0, $0xA;
	s2 =	sadd.s32 s3, s2  }
0x8d: {  	s2 =	sadd.s32 s2, s16  }
0x8e: {  	[smem:$0x3FC4] =	sst s2  }
0x8f: {  	_ = 	snop  }
0x90: {  	(tm) =	ssettm $0x1  }
0x91: {  	s17 =	sld [smem:$0x3FFB];
	_ =	sdelay $0x3  }
0x92: {  	_ =	strace s17  }
0x93: {  	s2 =	sld [smem:$0x3FFC];
	_ =	sdelay $0x3  }
0x94: {  	_ =	strace s2  }
0x95: {  	s2 =	sld [smem:$0x3FFD];
	_ =	sdelay $0x3  }
0x96: {  	_ =	strace s2  }
0x97: {  	_ =	strace $0x8FFFFFFF  }
0x98: {  	s18 =	sld [smem:$0x3FDB];
	_ =	sdelay $0x1  }
0x99: {  	s19 =	simm.s32 $_scs_section_size  }
0x9a: {  	s4 =	simm.s32 $_size__tile_overlayer_lowered;
	s5 =	simm.s32 $_tile_overlayer_lowered  }
0x9b: {  	s22 =	simm.s32 $0x1BFF;
	s21 =	sshll.u32 s5, $0x1;
	s2 =	sadd.s32 s19, s18  }
0x9c: {  	s6 =	simm.s32 $0x0;
	s20 =	sshll.u32 s4, $0x1;
	s4 =	sadd.s32 s21, s2  }
0x9d: {  	[timem:s6], [sflag:s22] =	dma.local [hbm:s4], s20  }
0x9e: {  	_ =	swait.ge [sflag:s22], s20  }
0x9f: {  	s3 =	ssub.s32 $0x0, s20;
	[sflag:s22] =	ssyncset.done $0x0  }
0xa0: {  	[sflag:s22] =	ssyncadd.s32 s3;
	_ =	sdelay $0x1  }
0xa1: {  	s23 =	simm.s32 $0x1B8B  }
0xa2: {  	_ =	swait.ge [sflag:s23], $0x1  }
0xa3: {  	[sflag:s23] =	ssyncset.done $0x0  }
0xa4: {  	s25 =	simm.s32 $0x1B8E;
	s24 =	sld [smem:$0x3FFE];
	[sflag:s23] =	ssyncadd.s32 $0xFFFFFFFF  }
0xa5: {  	s26 =	simm.s32 $execute0_lowered;
	[smem:$0x3FD2] =	sst s25  }
0xa6: {  	s4 =	sshll.u32 s26, $0x1;
	_ =	strace $0x80000046;
	[dreg:$0x1] =	wrdreg $0xFFFFFFFF  }
0xa7: {  	s28 =	simm.s32 $_size_execute0_lowered;
	s2 =	sadd.s32 s2, s4;
	[dreg:$0x0] =	wrdreg $0x0  }
0xa8: {  	s4 =	sshll.u32 s28, $0x1;
	[dreg:$0x2] =	wrdreg s2  }
0xa9: {  	[dreg:$0x3] =	wrdreg s4  }
0xaa: {  	[dreg:$0x4] =	wrdreg $0xC0  }
0xab: {  	_ =	task [dreg:s6], $0x5FFFF  }
0xac: {  	[dreg:$0x1] =	wrdreg $0xFFFFFFFF  }
0xad: {  	[dreg:$0x0] =	wrdreg $0x60  }
0xae: {  	[dreg:$0x2] =	wrdreg s24  }
0xaf: {  	[dreg:$0x3] =	wrdreg $0x9  }
0xb0: {  	_ =	task.clear_ibuf [dreg:s6], $0x4FFFF;
	_ =	strace $0x90000046  }
0xb1: {  	s29 =	simm.s32 $0x9;
	_ =	strace $0x80000048  }
0xb2: {  	_ =	swait.ge [sflag:s29], $0x1  }
0xb3: {  	[sflag:s29] =	ssyncadd.s32 $0xFFFFFFFF  }
0xb4: {  	_ =	strace $0x90000048  }
0xb5: {  	_ =	sfence  }
0xb6: {  	s30 =	sld [smem:$0x0];
	_ =	sdelay $0x2  }
0xb7: {  	s31 =	sshll.u32 s1, $0xD;
	s1 =	sshrl.u32 s1, $0x2  }
0xb8: {  	s3 =	sand.u32 $0x4000, s31;
	s1 =	sadd.s32 s1, s30  }
0xb9: {  	s0 =	sor.u32 s3, s0;
	s1 =	sshll.u32 s1, $0x11  }
0xba: {  	s0 =	sor.u32 s1, s0  }
0xbb: {  	s0 =	sadd.s32 $0x8F2B, s0  }
0xbc: {  	[sflag:s0] =	ssyncadd.remote.s32 $0x1  }
0xbd: {  	_ =	sfence.sel $0xFFFF  }
0xbe: {  	[dreg:$0x0] =	wrdreg $0xFFFFFFFF;
	(pc) =	sbr.abs _section_cstart, $3  }
0xbf: {  	[dreg:$0x1] =	wrdreg $0xFFFFFFFF  }
0xc0: {  	_ =	task.clear_ibuf [dreg:s6], $0x2FFFF;
	_ =	strace $0x9FFFFFFF  }
0xc1: {  	(tm) =	ssettm $0x7FFFFFFF  }
tec
execute0_lowered:
.L_overlay_start_1:
0x0: {  	(tag) =	ssettag $0x1  }
0x1: {  	s0 =	srdreg.scid  }
0x2: {  	s2 =	stileid.u32;
	s1 =	rddreg [dreg:$0x0];
	s7 =	simm.s32 $0x5  }
0x3: {  	s8 =	simm.s32 $0x64;
	s9 =	simm.s32 $0x6800;
	s11 =	simm.s32 $0x8100  }
0x4: {  	s13 =	simm.s32 $0x9A00;
	s15 =	simm.s32 $0xB300;
	s16 =	simm.s32 $0x1A0  }
0x5: {  	s17 =	simm.s32 $0xCC00;
	s18 =	simm.s32 $0x208;
	s19 =	simm.s32 $0xE500  }
0x6: {  	s20 =	simm.s32 $0x270;
	s21 =	simm.s32 $0xFE00;
	s22 =	simm.s32 $0x2D8  }
0x7: {  	s23 =	simm.s32 $0x11700;
	s24 =	simm.s32 $0x1;
	s25 =	simm.s32 $0x2  }
0x8: {  	s26 =	simm.s32 $0x3;
	s28 =	simm.s32 $0x4;
	s29 =	simm.s32 $0x13000  }
0x9: {  	s0 =	sand.u32 $0x1, s0;
	s3 =	sshll.u32 s2, $0x1;
	s2 =	simm.s32 $0x0  }
0xa: {  	s30 =	simm.s32 $0x0;
	s3 =	sor.u32 s0, s3;
	[smem:$0x7FF] =	sst s2  }
0xb: {  	s0 =	ssub.s32 $0x2, s0;
	s4 =	smul.u32 $0xD00, s3;
	_ =	strace $0x80000047  }
0xc: {  	s5 =	sshll.u32 s3, $0xA;
	s3 =	sadd.s32 $0xF42E00, s1;
	s31 =	sshrl.u32 s0, $0x1  }
0xd: {  	s0 =	ssub.s32 s0, s31;
	s4 =	sadd.s32 s4, s1;
	s1 =	sadd.s32 s5, s1  }
0xe: {  	s6 =	smax.u32 s0, $0x1;
	s4 =	sadd.s32 $0xA00, s4;
	s5 =	sadd.s32 $0x1AA00, s1  }
.LBB2_1:
0xf: {  	[tilespmem:s2], [sflag:$0x5] =	stream.linear.gather [hbm4b:s4+s2], $0x6800, $0x38;
	[tilespmem:$0x15000] =	vst v63  }
0x10: {  	_ =	swait.ge [sflag:s7], $0x6800  }
0x11: {  	[sflag:s7] =	ssyncset.done $0x0  }
0x12: {  	[sflag:s7] =	ssyncadd.s32 $0xFFFF9800  }
0x13: {  	[tilespmem:s9], [sflag:$0x1] =	stream.indirect.gather [hbm4b:s3+s8], $0x40, s2, s8, $0xb8;
	[tilespmem:$0x15000] =	vst v63  }
0x14: {  	s0 =	simm.s32 $0x68  }
0x15: {  	[tilespmem:s11], [sflag:$0x1] =	stream.indirect.gather [hbm4b:s3+s8], $0x40, s0, s8, $0xb8;
	[tilespmem:$0x15000] =	vst v63  }
0x16: {  	s12 =	simm.s32 $0xD0  }
0x17: {  	[tilespmem:s13], [sflag:$0x2] =	stream.indirect.gather [hbm4b:s3+s8], $0x40, s12, s8, $0xb8;
	[tilespmem:$0x15000] =	vst v63  }
0x18: {  	s14 =	simm.s32 $0x138  }
0x19: {  	[tilespmem:s15], [sflag:$0x2] =	stream.indirect.gather [hbm4b:s3+s8], $0x40, s14, s8, $0xb8;
	[tilespmem:$0x15000] =	vst v63  }
0x1a: {  	_ = 	snop  }
0x1b: {  	[tilespmem:s17], [sflag:$0x3] =	stream.indirect.gather [hbm4b:s3+s8], $0x40, s16, s8, $0xb8;
	[tilespmem:$0x15000] =	vst v63  }
0x1c: {  	_ = 	snop  }
0x1d: {  	[tilespmem:s19], [sflag:$0x3] =	stream.indirect.gather [hbm4b:s3+s8], $0x40, s18, s8, $0xb8;
	[tilespmem:$0x15000] =	vst v63  }
0x1e: {  	_ = 	snop  }
0x1f: {  	[tilespmem:s21], [sflag:$0x4] =	stream.indirect.gather [hbm4b:s3+s8], $0x40, s20, s8, $0xb8;
	[tilespmem:$0x15000] =	vst v63  }
0x20: {  	s31 =	simm.s32 $0x0  }
0x21: {  	[tilespmem:s23], [sflag:$0x4] =	stream.indirect.gather [hbm4b:s3+s8], $0x40, s22, s8, $0xb8;
	[tilespmem:$0x15000] =	vst v63  }
.LBB2_2:
0x22: {  	_ =	swait.ge [sflag:s24], $0x1900  }
0x23: {  	[sflag:s24] =	ssyncset.done $0x0  }
0x24: {  	[sflag:s24] =	ssyncadd.s32 $0xFFFFE700  }
0x25: {  	_ =	swait.ge [sflag:s24], $0x1900  }
0x26: {  	[sflag:s24] =	ssyncset.done $0x0  }
0x27: {  	s10 =	simm.s32 $0xFFFFE700;
	[sflag:s24] =	ssyncadd.s32 $0xFFFFE700  }
0x28: {  	v0 =	vld [tilespmem:s10+$0x9A30]  }
0x29: {  	v1 =	vld [tilespmem:s10+$0x8100]  }
0x2a: {  	v4 =	vld [tilespmem:s10+$0x8110]  }
0x2b: {  	v5 =	vld [tilespmem:s10+$0x8120]  }
0x2c: {  	v6 =	vld [tilespmem:s10+$0x8130]  }
0x2d: {  	v3 =	vimm.f32 $-Inf;
	v8 =	vimm.f32 $-Inf;
	v7 =	vld [tilespmem:s10+$0x9A00]  }
0x2e: {  	v9 =	vimm.f32 $-Inf;
	v10 =	vimm.f32 $-Inf;
	v11 =	vld [tilespmem:s10+$0x9A10];
	v0 =	vmax.f32 v3, v0  }
0x2f: {  	s0 =	simm.s32 $0xFFFFE740;
	s1 =	simm.s32 $0xFFFF9E00;
	v12 =	vld [tilespmem:s10+$0x9A20];
	v2 =	vmax.f32 v3, v1;
	v1 =	vmax.f32 v3, v4;
	v4 =	vimm.f32 $-Inf  }
.LBB2_3:
0x30: {  	p0 =	sne.s32 s1, $0xFFFFFF00;
	v13 =	vld [tilespmem:s0+$0x9A30];
	v3 =	vmax.f32 v3, v5  }
0x31: {  	v14 =	vld [tilespmem:s0+$0x8100];
	v4 =	vmax.f32 v4, v6  }
0x32: {  	v15 =	vld [tilespmem:s0+$0x8110];
	v8 =	vmax.f32 v8, v7  }
.Ltmp0:
0x33: {  	v5 =	vld [tilespmem:s0+$0x8120];
	v9 =	vmax.f32 v9, v11;
	(pc) =	sbr.rel @p0 .LBB2_3-.Ltmp0, $4  }
0x34: {  	v6 =	vld [tilespmem:s0+$0x8130];
	v10 =	vmax.f32 v10, v12  }
0x35: {  	v7 =	vld [tilespmem:s0+$0x9A00];
	v0 =	vmax.f32 v0, v13  }
0x36: {  	v2 =	vmax.f32 v2, v14;
	v11 =	vld [tilespmem:s0+$0x9A10]  }
0x37: {  	v1 =	vmax.f32 v1, v15;
	v12 =	vld [tilespmem:s0+$0x9A20];
	s0 =	sshra.s32 s1, $0x2;
	s1 =	sadd.s32 $0x100, s1  }
0x38: {  	v13 =	vld [tilespmem:s0+$0x9A30]  }
0x39: {  	v14 =	vld [tilespmem:s0+$0x8100]  }
0x3a: {  	v15 =	vld [tilespmem:s0+$0x8110]  }
0x3b: {  	v16 =	vld [tilespmem:s0+$0x8120]  }
0x3c: {  	v17 =	vld [tilespmem:s0+$0x9A00]  }
0x3d: {  	v18 =	vld [tilespmem:s0+$0x9A10]  }
0x3e: {  	v19 =	vld [tilespmem:s0+$0x9A20]  }
0x3f: {  	v3 =	vmax.f32 v3, v5;
	v5 =	vld [tilespmem:s0+$0x8130]  }
0x40: {  	v4 =	vmax.f32 v4, v6;
	v6 =	vmax.f32 v8, v7;
	v7 =	vmax.f32 v9, v11  }
0x41: {  	s0 =	sshll.u32 s31, $0x2;
	s1 =	sshll.u32 s31, $0x8;
	v8 =	vmax.f32 v10, v12;
	v2 =	vmax.f32 v2, v14;
	v6 =	vmax.f32 v6, v17  }
0x42: {  	s1 =	sand.u32 $0x3FFFFF00, s1;
	s10 =	sadd.s32 $0x4, s0;
	v1 =	vmax.f32 v1, v15;
	v7 =	vmax.f32 v7, v18;
	v2 =	vmax.f32 v2, v6  }
0x43: {  	s10 =	sand.u32 $0x7C, s10;
	v3 =	vmax.f32 v3, v16;
	v6 =	vmax.f32 v8, v19;
	v1 =	vmax.f32 v1, v7;
	[tilespmem:s1+$0x13000] =	vst v2  }
0x44: {  	s10 =	smul.u32 $0x340, s10;
	v0 =	vmax.f32 v0, v13;
	v2 =	vmax.f32 v4, v5;
	v3 =	vmax.f32 v3, v6;
	[tilespmem:s1+$0x13010] =	vst v1  }
0x45: {  	v0 =	vmax.f32 v2, v0;
	[tilespmem:s1+$0x13020] =	vst v3  }
0x46: {  	s10 =	sshrl.u32 s10, $0x2;
	[tilespmem:s1+$0x13030] =	vst v0  }
0x47: {  	[tilespmem:s9], [sflag:$0x1] =	stream.indirect.gather [hbm4b:s3+s8], $0x40, s10, s8, $0xb8;
	[tilespmem:$0x15000] =	vst v63  }
0x48: {  	s10 =	sadd.s32 $0x68, s10  }
0x49: {  	[tilespmem:s11], [sflag:$0x1] =	stream.indirect.gather [hbm4b:s3+s8], $0x40, s10, s8, $0xb8;
	[tilespmem:$0x15000] =	vst v63  }
0x4a: {  	_ =	swait.ge [sflag:s25], $0x1900  }
0x4b: {  	[sflag:s25] =	ssyncset.done $0x0  }
0x4c: {  	[sflag:s25] =	ssyncadd.s32 $0xFFFFE700  }
0x4d: {  	_ =	swait.ge [sflag:s25], $0x1900  }
0x4e: {  	[sflag:s25] =	ssyncset.done $0x0  }
0x4f: {  	s14 =	simm.s32 $0x0;
	[sflag:s25] =	ssyncadd.s32 $0xFFFFE700  }
0x50: {  	v0 =	vld [tilespmem:s14+$0xB330]  }
0x51: {  	v1 =	vld [tilespmem:s14+$0x9A00]  }
0x52: {  	v2 =	vld [tilespmem:s14+$0x9A10]  }
0x53: {  	v5 =	vld [tilespmem:s14+$0x9A20]  }
0x54: {  	v6 =	vld [tilespmem:s14+$0x9A30]  }
0x55: {  	v9 =	vimm.f32 $-Inf;
	v10 =	vimm.f32 $-Inf;
	v7 =	vld [tilespmem:s14+$0xB300]  }
0x56: {  	v8 =	vimm.f32 $-Inf;
	v4 =	vimm.f32 $-Inf;
	v3 =	vimm.f32 $-Inf;
	v11 =	vld [tilespmem:s14+$0xB310]  }
0x57: {  	s12 =	simm.s32 $0x200;
	s10 =	simm.s32 $0x40;
	v12 =	vld [tilespmem:s14+$0xB320];
	v0 =	vmax.f32 v3, v0;
	v1 =	vmax.f32 v3, v1;
	v2 =	vmax.f32 v3, v2  }
.LBB2_5:
0x58: {  	p0 =	sne.s32 s12, $0x6300;
	v13 =	vld [tilespmem:s10+$0xB330];
	v3 =	vmax.f32 v3, v5  }
0x59: {  	v14 =	vld [tilespmem:s10+$0x9A00];
	v4 =	vmax.f32 v4, v6  }
0x5a: {  	v15 =	vld [tilespmem:s10+$0x9A10];
	v8 =	vmax.f32 v8, v7  }
.Ltmp1:
0x5b: {  	v5 =	vld [tilespmem:s10+$0x9A20];
	v9 =	vmax.f32 v9, v11;
	(pc) =	sbr.rel @p0 .LBB2_5-.Ltmp1, $4  }
0x5c: {  	v6 =	vld [tilespmem:s10+$0x9A30];
	v10 =	vmax.f32 v10, v12  }
0x5d: {  	v7 =	vld [tilespmem:s10+$0xB300];
	v0 =	vmax.f32 v0, v13  }
0x5e: {  	v1 =	vmax.f32 v1, v14;
	v11 =	vld [tilespmem:s10+$0xB310]  }
0x5f: {  	v2 =	vmax.f32 v2, v15;
	v12 =	vld [tilespmem:s10+$0xB320];
	s10 =	sshra.s32 s12, $0x2;
	s12 =	sadd.s32 $0x100, s12  }
0x60: {  	v13 =	vld [tilespmem:s10+$0xB330]  }
0x61: {  	v14 =	vld [tilespmem:s10+$0x9A00]  }
0x62: {  	v15 =	vld [tilespmem:s10+$0x9A10]  }
0x63: {  	v16 =	vld [tilespmem:s10+$0x9A20]  }
0x64: {  	v17 =	vld [tilespmem:s10+$0xB300]  }
0x65: {  	v18 =	vld [tilespmem:s10+$0xB310]  }
0x66: {  	v19 =	vld [tilespmem:s10+$0xB320]  }
0x67: {  	v3 =	vmax.f32 v3, v5;
	v5 =	vld [tilespmem:s10+$0x9A30]  }
0x68: {  	v4 =	vmax.f32 v4, v6;
	v6 =	vmax.f32 v8, v7;
	v7 =	vmax.f32 v9, v11  }
0x69: {  	v8 =	vmax.f32 v10, v12;
	v1 =	vmax.f32 v1, v14;
	v6 =	vmax.f32 v6, v17  }
0x6a: {  	s14 =	sadd.s32 $0x5, s0;
	v2 =	vmax.f32 v2, v15;
	v7 =	vmax.f32 v7, v18;
	v1 =	vmax.f32 v1, v6  }
0x6b: {  	s10 =	sand.u32 $0x7D, s14;
	v3 =	vmax.f32 v3, v16;
	v6 =	vmax.f32 v8, v19;
	v2 =	vmax.f32 v2, v7;
	[tilespmem:s1+$0x13040] =	vst v1  }
0x6c: {  	s10 =	smul.u32 $0x340, s10;
	v0 =	vmax.f32 v0, v13;
	v1 =	vmax.f32 v4, v5;
	v3 =	vmax.f32 v3, v6;
	[tilespmem:s1+$0x13050] =	vst v2  }
0x6d: {  	v0 =	vmax.f32 v1, v0;
	[tilespmem:s1+$0x13060] =	vst v3  }
0x6e: {  	s10 =	sshrl.u32 s10, $0x2;
	[tilespmem:s1+$0x13070] =	vst v0  }
0x6f: {  	[tilespmem:s13], [sflag:$0x2] =	stream.indirect.gather [hbm4b:s3+s8], $0x40, s10, s8, $0xb8;
	[tilespmem:$0x15000] =	vst v63  }
0x70: {  	s10 =	sadd.s32 $0x68, s10  }
0x71: {  	[tilespmem:s15], [sflag:$0x2] =	stream.indirect.gather [hbm4b:s3+s8], $0x40, s10, s8, $0xb8;
	[tilespmem:$0x15000] =	vst v63  }
0x72: {  	_ =	swait.ge [sflag:s26], $0x1900  }
0x73: {  	[sflag:s26] =	ssyncset.done $0x0  }
0x74: {  	[sflag:s26] =	ssyncadd.s32 $0xFFFFE700  }
0x75: {  	_ =	swait.ge [sflag:s26], $0x1900  }
0x76: {  	[sflag:s26] =	ssyncset.done $0x0  }
0x77: {  	s14 =	simm.s32 $0x0;
	[sflag:s26] =	ssyncadd.s32 $0xFFFFE700  }
0x78: {  	v0 =	vld [tilespmem:s14+$0xE530]  }
0x79: {  	v1 =	vld [tilespmem:s14+$0xCC00]  }
0x7a: {  	v2 =	vld [tilespmem:s14+$0xCC10]  }
0x7b: {  	v5 =	vld [tilespmem:s14+$0xCC20]  }
0x7c: {  	v6 =	vld [tilespmem:s14+$0xCC30]  }
0x7d: {  	v9 =	vimm.f32 $-Inf;
	v10 =	vimm.f32 $-Inf;
	v7 =	vld [tilespmem:s14+$0xE500]  }
0x7e: {  	v8 =	vimm.f32 $-Inf;
	v4 =	vimm.f32 $-Inf;
	v3 =	vimm.f32 $-Inf;
	v11 =	vld [tilespmem:s14+$0xE510]  }
0x7f: {  	s12 =	simm.s32 $0x200;
	s10 =	simm.s32 $0x40;
	v12 =	vld [tilespmem:s14+$0xE520];
	v0 =	vmax.f32 v3, v0;
	v1 =	vmax.f32 v3, v1;
	v2 =	vmax.f32 v3, v2  }
.LBB2_7:
0x80: {  	p0 =	sne.s32 s12, $0x6300;
	v13 =	vld [tilespmem:s10+$0xE530];
	v3 =	vmax.f32 v3, v5  }
0x81: {  	v14 =	vld [tilespmem:s10+$0xCC00];
	v4 =	vmax.f32 v4, v6  }
0x82: {  	v15 =	vld [tilespmem:s10+$0xCC10];
	v8 =	vmax.f32 v8, v7  }
.Ltmp2:
0x83: {  	v5 =	vld [tilespmem:s10+$0xCC20];
	v9 =	vmax.f32 v9, v11;
	(pc) =	sbr.rel @p0 .LBB2_7-.Ltmp2, $4  }
0x84: {  	v6 =	vld [tilespmem:s10+$0xCC30];
	v10 =	vmax.f32 v10, v12  }
0x85: {  	v7 =	vld [tilespmem:s10+$0xE500];
	v0 =	vmax.f32 v0, v13  }
0x86: {  	v1 =	vmax.f32 v1, v14;
	v11 =	vld [tilespmem:s10+$0xE510]  }
0x87: {  	v2 =	vmax.f32 v2, v15;
	v12 =	vld [tilespmem:s10+$0xE520];
	s10 =	sshra.s32 s12, $0x2;
	s12 =	sadd.s32 $0x100, s12  }
0x88: {  	v13 =	vld [tilespmem:s10+$0xE530]  }
0x89: {  	v14 =	vld [tilespmem:s10+$0xCC00]  }
0x8a: {  	v15 =	vld [tilespmem:s10+$0xCC10]  }
0x8b: {  	v16 =	vld [tilespmem:s10+$0xCC20]  }
0x8c: {  	v17 =	vld [tilespmem:s10+$0xE500]  }
0x8d: {  	v18 =	vld [tilespmem:s10+$0xE510]  }
0x8e: {  	v19 =	vld [tilespmem:s10+$0xE520]  }
0x8f: {  	v3 =	vmax.f32 v3, v5;
	v5 =	vld [tilespmem:s10+$0xCC30]  }
0x90: {  	v4 =	vmax.f32 v4, v6;
	v6 =	vmax.f32 v8, v7;
	v7 =	vmax.f32 v9, v11  }
0x91: {  	v8 =	vmax.f32 v10, v12;
	v1 =	vmax.f32 v1, v14;
	v6 =	vmax.f32 v6, v17  }
0x92: {  	s14 =	sadd.s32 $0x6, s0;
	v2 =	vmax.f32 v2, v15;
	v7 =	vmax.f32 v7, v18;
	v1 =	vmax.f32 v1, v6  }
0x93: {  	s10 =	sand.u32 $0x7E, s14;
	v3 =	vmax.f32 v3, v16;
	v6 =	vmax.f32 v8, v19;
	v2 =	vmax.f32 v2, v7;
	[tilespmem:s1+$0x13080] =	vst v1  }
0x94: {  	s10 =	smul.u32 $0x340, s10;
	v0 =	vmax.f32 v0, v13;
	v1 =	vmax.f32 v4, v5;
	v3 =	vmax.f32 v3, v6;
	[tilespmem:s1+$0x13090] =	vst v2  }
0x95: {  	v0 =	vmax.f32 v1, v0;
	[tilespmem:s1+$0x130A0] =	vst v3  }
0x96: {  	s10 =	sshrl.u32 s10, $0x2;
	[tilespmem:s1+$0x130B0] =	vst v0  }
0x97: {  	[tilespmem:s17], [sflag:$0x3] =	stream.indirect.gather [hbm4b:s3+s8], $0x40, s10, s8, $0xb8;
	[tilespmem:$0x15000] =	vst v63  }
0x98: {  	s10 =	sadd.s32 $0x68, s10  }
0x99: {  	[tilespmem:s19], [sflag:$0x3] =	stream.indirect.gather [hbm4b:s3+s8], $0x40, s10, s8, $0xb8;
	[tilespmem:$0x15000] =	vst v63  }
0x9a: {  	_ =	swait.ge [sflag:s28], $0x1900  }
0x9b: {  	[sflag:s28] =	ssyncset.done $0x0  }
0x9c: {  	[sflag:s28] =	ssyncadd.s32 $0xFFFFE700  }
0x9d: {  	_ =	swait.ge [sflag:s28], $0x1900  }
0x9e: {  	[sflag:s28] =	ssyncset.done $0x0  }
0x9f: {  	s14 =	simm.s32 $0x0;
	[sflag:s28] =	ssyncadd.s32 $0xFFFFE700  }
0xa0: {  	v0 =	vld [tilespmem:s14+$0x11730]  }
0xa1: {  	v1 =	vld [tilespmem:s14+$0xFE00]  }
0xa2: {  	v2 =	vld [tilespmem:s14+$0xFE10]  }
0xa3: {  	v5 =	vld [tilespmem:s14+$0xFE20]  }
0xa4: {  	v6 =	vld [tilespmem:s14+$0xFE30]  }
0xa5: {  	v9 =	vimm.f32 $-Inf;
	v10 =	vimm.f32 $-Inf;
	v7 =	vld [tilespmem:s14+$0x11700]  }
0xa6: {  	v8 =	vimm.f32 $-Inf;
	v4 =	vimm.f32 $-Inf;
	v3 =	vimm.f32 $-Inf;
	v11 =	vld [tilespmem:s14+$0x11710]  }
0xa7: {  	s12 =	simm.s32 $0x200;
	s10 =	simm.s32 $0x40;
	v12 =	vld [tilespmem:s14+$0x11720];
	v0 =	vmax.f32 v3, v0;
	v1 =	vmax.f32 v3, v1;
	v2 =	vmax.f32 v3, v2  }
.LBB2_9:
0xa8: {  	p0 =	sne.s32 s12, $0x6300;
	v13 =	vld [tilespmem:s10+$0x11730];
	v3 =	vmax.f32 v3, v5  }
0xa9: {  	v14 =	vld [tilespmem:s10+$0xFE00];
	v4 =	vmax.f32 v4, v6  }
0xaa: {  	v15 =	vld [tilespmem:s10+$0xFE10];
	v8 =	vmax.f32 v8, v7  }
.Ltmp3:
0xab: {  	v5 =	vld [tilespmem:s10+$0xFE20];
	v9 =	vmax.f32 v9, v11;
	(pc) =	sbr.rel @p0 .LBB2_9-.Ltmp3, $4  }
0xac: {  	v6 =	vld [tilespmem:s10+$0xFE30];
	v10 =	vmax.f32 v10, v12  }
0xad: {  	v7 =	vld [tilespmem:s10+$0x11700];
	v0 =	vmax.f32 v0, v13  }
0xae: {  	v1 =	vmax.f32 v1, v14;
	v11 =	vld [tilespmem:s10+$0x11710]  }
0xaf: {  	v2 =	vmax.f32 v2, v15;
	v12 =	vld [tilespmem:s10+$0x11720];
	s10 =	sshra.s32 s12, $0x2;
	s12 =	sadd.s32 $0x100, s12  }
0xb0: {  	v13 =	vld [tilespmem:s10+$0x11730]  }
0xb1: {  	v14 =	vld [tilespmem:s10+$0xFE00]  }
0xb2: {  	v15 =	vld [tilespmem:s10+$0xFE10]  }
0xb3: {  	v16 =	vld [tilespmem:s10+$0xFE20]  }
0xb4: {  	v17 =	vld [tilespmem:s10+$0x11700]  }
0xb5: {  	v18 =	vld [tilespmem:s10+$0x11710]  }
0xb6: {  	v19 =	vld [tilespmem:s10+$0x11720]  }
0xb7: {  	v3 =	vmax.f32 v3, v5;
	v58 =	vld [tilespmem:s10+$0xFE30]  }
0xb8: {  	v4 =	vmax.f32 v4, v6;
	v59 =	vmax.f32 v8, v7;
	v60 =	vmax.f32 v9, v11  }
0xb9: {  	v61 =	vmax.f32 v10, v12;
	v1 =	vmax.f32 v1, v14;
	v6 =	vmax.f32 v59, v17  }
0xba: {  	s0 =	sadd.s32 $0x7, s0;
	v2 =	vmax.f32 v2, v15;
	v7 =	vmax.f32 v60, v18;
	v1 =	vmax.f32 v1, v6  }
0xbb: {  	s31 =	sadd.s32 $0x1, s31;
	s0 =	sand.u32 $0x7F, s0;
	v3 =	vmax.f32 v3, v16;
	v62 =	vmax.f32 v61, v19;
	v2 =	vmax.f32 v2, v7;
	[tilespmem:s1+$0x130C0] =	vst v1  }
0xbc: {  	p0 =	sne.s32 s31, $0x20;
	s0 =	smul.u32 $0x340, s0;
	v0 =	vmax.f32 v0, v13;
	v63 =	vmax.f32 v4, v58;
	v3 =	vmax.f32 v3, v62;
	[tilespmem:s1+$0x130D0] =	vst v2  }
.Ltmp4:
0xbd: {  	v0 =	vmax.f32 v63, v0;
	[tilespmem:s1+$0x130E0] =	vst v3;
	(pc) =	sbr.rel @p0 .LBB2_2-.Ltmp4, $4  }
0xbe: {  	s0 =	sshrl.u32 s0, $0x2;
	[tilespmem:s1+$0x130F0] =	vst v0  }
0xbf: {  	[tilespmem:s21], [sflag:$0x4] =	stream.indirect.gather [hbm4b:s3+s8], $0x40, s0, s8, $0xb8;
	[tilespmem:$0x15000] =	vst v63  }
0xc0: {  	s0 =	sadd.s32 $0x68, s0  }
0xc1: {  	[tilespmem:s23], [sflag:$0x4] =	stream.indirect.gather [hbm4b:s3+s8], $0x40, s0, s8, $0xb8;
	[tilespmem:$0x15000] =	vst v63  }
0xc2: {  	_ =	swait.ge [sflag:s24], $0x1900  }
0xc3: {  	[sflag:s24] =	ssyncset.done $0x0  }
0xc4: {  	[sflag:s24] =	ssyncadd.s32 $0xFFFFE700  }
0xc5: {  	_ =	swait.ge [sflag:s24], $0x1900  }
0xc6: {  	[sflag:s24] =	ssyncset.done $0x0  }
0xc7: {  	[sflag:s24] =	ssyncadd.s32 $0xFFFFE700  }
0xc8: {  	_ =	swait.ge [sflag:s25], $0x1900  }
0xc9: {  	[sflag:s25] =	ssyncset.done $0x0  }
0xca: {  	[sflag:s25] =	ssyncadd.s32 $0xFFFFE700  }
0xcb: {  	_ =	swait.ge [sflag:s25], $0x1900  }
0xcc: {  	[sflag:s25] =	ssyncset.done $0x0  }
0xcd: {  	[sflag:s25] =	ssyncadd.s32 $0xFFFFE700  }
0xce: {  	_ =	swait.ge [sflag:s26], $0x1900  }
0xcf: {  	[sflag:s26] =	ssyncset.done $0x0  }
0xd0: {  	[sflag:s26] =	ssyncadd.s32 $0xFFFFE700  }
0xd1: {  	_ =	swait.ge [sflag:s26], $0x1900  }
0xd2: {  	[sflag:s26] =	ssyncset.done $0x0  }
0xd3: {  	[sflag:s26] =	ssyncadd.s32 $0xFFFFE700  }
0xd4: {  	_ =	swait.ge [sflag:s28], $0x1900  }
0xd5: {  	[sflag:s28] =	ssyncset.done $0x0  }
0xd6: {  	[sflag:s28] =	ssyncadd.s32 $0xFFFFE700  }
0xd7: {  	s30 =	sadd.s32 $0x1, s30;
	_ =	swait.ge [sflag:s28], $0x1900  }
0xd8: {  	p0 =	sne.s32 s30, s6;
	[sflag:s28] =	ssyncset.done $0x0  }
.Ltmp5:
0xd9: {  	[sflag:s28] =	ssyncadd.s32 $0xFFFFE700;
	(pc) =	sbr.rel @p0 .LBB2_1-.Ltmp5, $4  }
0xda: {  	[hbm4b:s5+s2] =	stream.linear.scatter [tilespmem:s29], [sflag:$0x5], $0x2000, $0x38;
	[tilespmem:$0x15000] =	vst v63  }
0xdb: {  	_ =	swait.ge [sflag:s7], $0x2000  }
0xdc: {  	[sflag:s7] =	ssyncset.done $0x0  }
0xdd: {  	[sflag:s7] =	ssyncadd.s32 $0xFFFFE000  }
0xde: {  	_ =	sfence.sel $0x180000  }
0xdf: {  	[bflag:$0x0] =	sbarrier.arrive $0xFFFF  }
0xe0: {  	_ =	strace $0x90000047  }
0xe1: {  	s0 =	stileid.u32;
	[bflag:$0x2] =	sbarrier.arrive $0xFFFF  }
0xe2: {  	p0 =	sne.s32 s0, $0x0;
	s0 =	rddreg [dreg:$0x1]  }
0xe3: {  	s0 =	sadd.s32 @!p0 $0x100000, s0  }
0xe4: {  	[sflag:s0] =	ssyncadd.tile.s32 @!p0 $0x1;
	_ =	shalt  }
.Lfunc_end2:
_tile_overlayer_lowered:
.L_overlay_start_2:
0xe5: {  	(tag) =	ssettag $0x2  }
0xe6: {  	s0 =	rddreg [dreg:$0x0];
	s2 =	stileid.u32  }
0xe7: {  	s1 =	rddreg [dreg:$0x1];
	p0 =	sne.s32 s2, $0x0  }
0xe8: {  	s3 =	rddreg [dreg:$0x2];
	[bflag:$0x3] =	sbarrier.arrive $0xFFFF;
	s2 =	simm.s32 @!p0 $0x1C05  }
0xe9: {  	[timem:s3], [sflag:s2] =	dma.local @!p0 [hbm:s0], s1  }
0xea: {  	s0 =	simm.s32 @!p0 $0x5  }
0xeb: {  	_ =	swait.ge @!p0 [sflag:s0], s1  }
0xec: {  	s1 =	ssub.s32 @!p0 $0x0, s1;
	[sflag:s0] =	ssyncset.done @!p0 $0x0  }
0xed: {  	[sflag:s0] =	ssyncadd.s32 @!p0 s1  }
0xee: {  	[bflag:$0x3] =	sbarrier.arrive $0xFFFF  }
0xef: {  	_ =	shalt  }

</sc_bundles>
